<compile_context>
chip_gen: v7x
topology: tpu7x:2x2x1
jax: 0.10.2.dev20260603
libtpu: 0.0.44.dev20260713+nightly
codegen_flags: <defaults>
</compile_context>

<pallas_src>
import functools

import jax
import jax.numpy as jnp
from jax import lax
from jax.experimental import pallas as pl
from jax.experimental.pallas import tpu as pltpu
from jax.experimental.pallas import tpu_sc as plsc

_EPS = 1e-12


def _safe(den):
    return jnp.where(jnp.abs(den) < _EPS, _EPS, den)


def _tile_kernel(pts_ref, trisT_ref, fidx_ref, cu_ref, cv_ref, cw_ref, *, F, TQ):
    b = pl.program_id(0)
    p = pts_ref[0]
    px = p[:, 0:1]
    py = p[:, 1:2]
    pz = p[:, 2:3]
    t = trisT_ref[0]
    ax = t[0:1]; ay = t[1:2]; az = t[2:3]
    bx = t[3:4]; by = t[4:5]; bz = t[5:6]
    cx = t[6:7]; cy = t[7:8]; cz = t[8:9]

    abx = bx - ax; aby = by - ay; abz = bz - az
    acx = cx - ax; acy = cy - ay; acz = cz - az

    apx = px - ax; apy = py - ay; apz = pz - az
    d1 = abx * apx + aby * apy + abz * apz
    d2 = acx * apx + acy * apy + acz * apz
    bpx = px - bx; bpy = py - by; bpz = pz - bz
    d3 = abx * bpx + aby * bpy + abz * bpz
    d4 = acx * bpx + acy * bpy + acz * bpz
    cpx = px - cx; cpy = py - cy; cpz = pz - cz
    d5 = abx * cpx + aby * cpy + abz * cpz
    d6 = acx * cpx + acy * cpy + acz * cpz

    va = d3 * d6 - d5 * d4
    vb = d5 * d2 - d1 * d6
    vc = d1 * d4 - d3 * d2
    v_ab = d1 / _safe(d1 - d3)
    w_ac = d2 / _safe(d2 - d6)
    w_bc = (d4 - d3) / _safe((d4 - d3) + (d5 - d6))
    denom = _safe(va + vb + vc)
    v_in = vb / denom
    w_in = vc / denom

    u = 1.0 - v_in - w_in; v = v_in; w = w_in
    on_bc = (va <= 0) & ((d4 - d3) >= 0) & ((d5 - d6) >= 0)
    u = jnp.where(on_bc, 0.0, u); v = jnp.where(on_bc, 1.0 - w_bc, v); w = jnp.where(on_bc, w_bc, w)
    on_ac = (vb <= 0) & (d2 >= 0) & (d6 <= 0)
    u = jnp.where(on_ac, 1.0 - w_ac, u); v = jnp.where(on_ac, 0.0, v); w = jnp.where(on_ac, w_ac, w)
    on_ab = (vc <= 0) & (d1 >= 0) & (d3 <= 0)
    u = jnp.where(on_ab, 1.0 - v_ab, u); v = jnp.where(on_ab, v_ab, v); w = jnp.where(on_ab, 0.0, w)
    at_c = (d6 >= 0) & (d5 <= d6)
    u = jnp.where(at_c, 0.0, u); v = jnp.where(at_c, 0.0, v); w = jnp.where(at_c, 1.0, w)
    at_b = (d3 >= 0) & (d4 <= d3)
    u = jnp.where(at_b, 0.0, u); v = jnp.where(at_b, 1.0, v); w = jnp.where(at_b, 0.0, w)
    at_a = (d1 <= 0) & (d2 <= 0)
    u = jnp.where(at_a, 1.0, u); v = jnp.where(at_a, 0.0, v); w = jnp.where(at_a, 0.0, w)

    clx = u * ax + v * bx + w * cx
    cly = u * ay + v * by + w * cy
    clz = u * az + v * bz + w * cz
    dist2 = (clx - px) ** 2 + (cly - py) ** 2 + (clz - pz) ** 2

    minv = jnp.min(dist2, axis=1, keepdims=True)
    fio = jax.lax.broadcasted_iota(jnp.int32, (TQ, F), 1)
    idx = jnp.min(jnp.where(dist2 == minv, fio, F), axis=1, keepdims=True)
    oh = (fio == idx).astype(jnp.float32)

    uw = jnp.sum(u * oh, axis=1, keepdims=True)
    vw = jnp.sum(v * oh, axis=1, keepdims=True)
    ww = jnp.sum(w * oh, axis=1, keepdims=True)
    cu_ref[0] = jnp.clip(uw, 0.0, 1.0)
    cv_ref[0] = jnp.clip(vw, 0.0, 1.0)
    cw_ref[0] = jnp.clip(ww, 0.0, 1.0)
    fidx_ref[0] = idx + b * F


def _sc_gather_kernel(tab_hbm, fidx_hbm, g_hbm, idx_v, rows_v, sem,
                      *, BPW, NCHUNK):
    nc = plsc.get_sparse_core_info().num_cores
    wid = lax.axis_index("s") * nc + lax.axis_index("c")
    base = wid * BPW

    for j in range(NCHUNK):
        pltpu.sync_copy(fidx_hbm.at[pl.ds(base + j * 128, 128)], idx_v.at[j])
    copies = [pltpu.async_copy(tab_hbm.at[idx_v.at[j]], rows_v.at[j], sem)
              for j in range(NCHUNK)]
    for cp in copies:
        cp.wait()
    for j in range(NCHUNK):
        pltpu.sync_copy(rows_v.at[j], g_hbm.at[pl.ds(base + j * 128, 128)])


def _interp_kernel(g_ref, pts_ref, cu_ref, cv_ref, cw_ref,
                   res_ref, nrm_ref, cmp_ref, idx_ref):
    g = g_ref[0]
    p = pts_ref[0]
    cu = cu_ref[0]
    cv = cv_ref[0]
    cw = cw_ref[0]
    feat = cu * g[:, 0:9] + cv * g[:, 9:18] + cw * g[:, 18:27]
    res_ref[0] = feat[:, 0:3] - p
    nrm_ref[0] = feat[:, 3:6]
    cmp_ref[0] = feat[:, 6:9]
    fid0 = g[:, 27:28]
    fid1 = g[:, 28:29]
    fid2 = g[:, 29:30]
    m0 = (cu >= cv) & (cu >= cw)
    m1 = jnp.logical_not(m0) & (cv >= cw)
    sel = jnp.where(m0, fid0, jnp.where(m1, fid1, fid2))
    idx_ref[0] = sel.astype(jnp.int32)


def kernel(triangles, points, normals, cmaps, faces):
    B, F = triangles.shape[0], triangles.shape[1]
    Q = points.shape[1]
    BQ = B * Q
    TQ = 512
    NQ = Q // TQ

    trisT = triangles.reshape(B, F, 9).transpose(0, 2, 1)

    fidx, cu, cv, cw = pl.pallas_call(
        functools.partial(_tile_kernel, F=F, TQ=TQ),
        grid=(B, NQ),
        in_specs=[
            pl.BlockSpec((1, TQ, 3), lambda b, qi: (b, qi, 0)),
            pl.BlockSpec((1, 9, F), lambda b, qi: (b, 0, 0)),
        ],
        out_specs=(
            pl.BlockSpec((1, TQ, 1), lambda b, qi: (b, qi, 0)),
            pl.BlockSpec((1, TQ, 1), lambda b, qi: (b, qi, 0)),
            pl.BlockSpec((1, TQ, 1), lambda b, qi: (b, qi, 0)),
            pl.BlockSpec((1, TQ, 1), lambda b, qi: (b, qi, 0)),
        ),
        out_shape=(
            jax.ShapeDtypeStruct((B, Q, 1), jnp.int32),
            jax.ShapeDtypeStruct((B, Q, 1), jnp.float32),
            jax.ShapeDtypeStruct((B, Q, 1), jnp.float32),
            jax.ShapeDtypeStruct((B, Q, 1), jnp.float32),
        ),
    )(points, trisT)

    v0 = jnp.concatenate([triangles[:, :, 0, :], normals[:, :, 0, :], cmaps[:, :, 0, :]], axis=-1)
    v1 = jnp.concatenate([triangles[:, :, 1, :], normals[:, :, 1, :], cmaps[:, :, 1, :]], axis=-1)
    v2 = jnp.concatenate([triangles[:, :, 2, :], normals[:, :, 2, :], cmaps[:, :, 2, :]], axis=-1)
    W = 128
    pad = jnp.zeros((B, F, W - 30), jnp.float32)
    tab = jnp.concatenate([v0, v1, v2, faces.astype(jnp.float32), pad], axis=-1)
    tab2 = tab.reshape(B * F, W)

    info = plsc.get_sparse_core_info()
    nw = info.num_cores * info.num_subcores
    BPW = BQ // nw
    NCHUNK = BPW // 128

    sc = pl.kernel(
        functools.partial(_sc_gather_kernel, BPW=BPW, NCHUNK=NCHUNK),
        mesh=plsc.VectorSubcoreMesh(core_axis_name="c", subcore_axis_name="s"),
        out_type=jax.ShapeDtypeStruct((BQ, W), jnp.float32),
        scratch_types=[
            pltpu.VMEM((NCHUNK, 128), jnp.int32),
            pltpu.VMEM((NCHUNK, 128, W), jnp.float32),
            pltpu.SemaphoreType.DMA,
        ],
    )
    g = sc(tab2, fidx.reshape(BQ))
    g = g.reshape(B, Q, W)

    res, nrm, cmp_, idx = pl.pallas_call(
        _interp_kernel,
        grid=(B, NQ),
        in_specs=[
            pl.BlockSpec((1, TQ, 128), lambda b, qi: (b, qi, 0)),
            pl.BlockSpec((1, TQ, 3), lambda b, qi: (b, qi, 0)),
            pl.BlockSpec((1, TQ, 1), lambda b, qi: (b, qi, 0)),
            pl.BlockSpec((1, TQ, 1), lambda b, qi: (b, qi, 0)),
            pl.BlockSpec((1, TQ, 1), lambda b, qi: (b, qi, 0)),
        ],
        out_specs=(
            pl.BlockSpec((1, TQ, 3), lambda b, qi: (b, qi, 0)),
            pl.BlockSpec((1, TQ, 3), lambda b, qi: (b, qi, 0)),
            pl.BlockSpec((1, TQ, 3), lambda b, qi: (b, qi, 0)),
            pl.BlockSpec((1, TQ, 1), lambda b, qi: (b, qi, 0)),
        ),
        out_shape=(
            jax.ShapeDtypeStruct((B, Q, 3), jnp.float32),
            jax.ShapeDtypeStruct((B, Q, 3), jnp.float32),
            jax.ShapeDtypeStruct((B, Q, 3), jnp.float32),
            jax.ShapeDtypeStruct((B, Q, 1), jnp.int32),
        ),
    )(g, points, cu, cv, cw)
    return res, nrm, cmp_, idx[:, :, 0]

# --- scband reference (transcript-rebuilt; emitter-appended) ---
"""Pipeline reference for scband-point-to-mesh-residual-58145267253566 (READ-ONLY COPY).

The authoritative reference and input builder live on the scoring server;
editing this copy changes nothing except your own understanding.
"""

import jax, jax.numpy as jnp
import numpy as np

B, F, Q, CHUNK = 2, 2048, 8192, 256
NUM_VERTS = 3000
EPS = 1e-12


def _safe(den):
    return jnp.where(jnp.abs(den) < EPS, EPS, den)


def _closest_point_tri_all(p, tris):
    # p: [3], tris: [F,3,3] -> (dist2 scalar, face idx, bary [3]) for the closest face
    a = tris[:, 0]; b = tris[:, 1]; c = tris[:, 2]
    ab = b - a; ac = c - a; ap = p - a
    d1 = jnp.sum(ab * ap, -1); d2 = jnp.sum(ac * ap, -1)
    bp = p - b
    d3 = jnp.sum(ab * bp, -1); d4 = jnp.sum(ac * bp, -1)
    cp = p - c
    d5 = jnp.sum(ab * cp, -1); d6 = jnp.sum(ac * cp, -1)
    va = d3 * d6 - d5 * d4
    vb = d5 * d2 - d1 * d6
    vc = d1 * d4 - d3 * d2
    v_ab = d1 / _safe(d1 - d3)
    w_ac = d2 / _safe(d2 - d6)
    w_bc = (d4 - d3) / _safe((d4 - d3) + (d5 - d6))
    denom = _safe(va + vb + vc)
    v_in = vb / denom; w_in = vc / denom
    # interior (lowest priority)
    u = 1.0 - v_in - w_in; v = v_in; w = w_in
    # edge BC
    on_bc = (va <= 0) & ((d4 - d3) >= 0) & ((d5 - d6) >= 0)
    u = jnp.where(on_bc, 0.0, u); v = jnp.where(on_bc, 1.0 - w_bc, v); w = jnp.where(on_bc, w_bc, w)
    # edge AC
    on_ac = (vb <= 0) & (d2 >= 0) & (d6 <= 0)
    u = jnp.where(on_ac, 1.0 - w_ac, u); v = jnp.where(on_ac, 0.0, v); w = jnp.where(on_ac, w_ac, w)
    # edge AB
    on_ab = (vc <= 0) & (d1 >= 0) & (d3 <= 0)
    u = jnp.where(on_ab, 1.0 - v_ab, u); v = jnp.where(on_ab, v_ab, v); w = jnp.where(on_ab, 0.0, w)
    # vertex C
    at_c = (d6 >= 0) & (d5 <= d6)
    u = jnp.where(at_c, 0.0, u); v = jnp.where(at_c, 0.0, v); w = jnp.where(at_c, 1.0, w)
    # vertex B
    at_b = (d3 >= 0) & (d4 <= d3)
    u = jnp.where(at_b, 0.0, u); v = jnp.where(at_b, 1.0, v); w = jnp.where(at_b, 0.0, w)
    # vertex A (highest priority)
    at_a = (d1 <= 0) & (d2 <= 0)
    u = jnp.where(at_a, 1.0, u); v = jnp.where(at_a, 0.0, v); w = jnp.where(at_a, 0.0, w)
    closest = u[:, None] * a + v[:, None] * b + w[:, None] * c
    dist2 = jnp.sum((closest - p) ** 2, -1)
    fidx = jnp.argmin(dist2)
    bcs = jnp.stack([u[fidx], v[fidx], w[fidx]])
    return dist2[fidx], fidx, bcs


def _bvh_query(tris, pts):
    # brute-force equivalent of the BVH closest-triangle search
    def per_chunk(pc):
        return jax.vmap(lambda p: _closest_point_tri_all(p, tris))(pc)
    chunks = pts.reshape(-1, CHUNK, 3)
    d2, fidx, bcs = jax.lax.map(per_chunk, chunks)
    return d2.reshape(-1), fidx.reshape(-1), bcs.reshape(-1, 3)


def setup_inputs(seed: int = 0):
    key = jax.random.key(seed)
    ks = jax.random.split(key, 5)
    return {
        "triangles": jax.random.normal(ks[0], (B, F, 3, 3), dtype=jnp.float32),
        "points": jax.random.normal(ks[1], (B, Q, 3), dtype=jnp.float32),
        "normals": jax.random.normal(ks[2], (B, F, 3, 3), dtype=jnp.float32),
        "cmaps": jax.random.normal(ks[3], (B, F, 3, 3), dtype=jnp.float32),
        "faces": jax.random.randint(ks[4], (B, F, 3), 0, NUM_VERTS, dtype=jnp.int32),
    }


def reference(triangles, points, normals, cmaps, faces):
    distances, closest_faces, closest_bcs = jax.vmap(_bvh_query)(triangles, points)
    closest_bcs = jnp.clip(closest_bcs, 0.0, 1.0)
    batch_size, num_triangles = triangles.shape[0], triangles.shape[1]
    closest_faces_idxs = (jnp.arange(batch_size, dtype=closest_faces.dtype) * num_triangles)[:, None]
    flat_idx = closest_faces_idxs + closest_faces  # [B,Q]

    def bcs_result(feature):
        tri = feature.reshape(-1, 3, 3)[flat_idx]  # [B,Q,3,3]
        return (tri[:, :, 0] * closest_bcs[:, :, 0:1]
                + tri[:, :, 1] * closest_bcs[:, :, 1:2]
                + tri[:, :, 2] * closest_bcs[:, :, 2:3])

    closest_points = bcs_result(triangles)
    closest_normals = bcs_result(normals)
    closest_cmaps = bcs_result(cmaps)
    residual = closest_points - points
    closest_fids = jnp.take_along_axis(faces, closest_faces[:, :, None], axis=1)  # [B,Q,3]
    max_idx = jnp.argmax(closest_bcs, axis=2)
    closest_idx = jnp.take_along_axis(closest_fids, max_idx[:, :, None], axis=2)[..., 0]
    return residual, closest_normals, closest_cmaps, closest_idx

if __name__ == "__main__":
    import jax
    _d = setup_inputs()
    print(jax.jit(kernel)(*tuple(_d.values())))

</pallas_src>

<mosaic_0001>
#map = affine_map<(d0, d1) -> (0, 0)>
#map1 = affine_map<(d0, d1) -> (0)>
module attributes {stable_mosaic.version = 14 : i64} {
  func.func @_sc_gather_kernel(%arg0: i32, %arg1: i32, %arg2: memref<4096x128xf32, #tpu.memory_space<hbm>>, %arg3: memref<16384xi32, #tpu.memory_space<hbm>>, %arg4: memref<16384x128xf32, #tpu.memory_space<hbm>>, %arg5: memref<4x128xi32, #tpu.memory_space<vmem>>, %arg6: memref<4x128x128xf32, #tpu.memory_space<vmem>>, %arg7: memref<!tpu.dma_semaphore, #tpu.memory_space<semaphore_mem>>) attributes {dimension_semantics = [#tpu.dimension_semantics<core_parallel>, #tpu.dimension_semantics<subcore_parallel>], iteration_bounds = array<i64: 2, 16>, scalar_prefetch = 0 : i64, scratch_operands = 3 : i64, tpu.core_type = #tpu.core_type<sc_vector_subcore>, window_params = [{transform_indices = #map}, {transform_indices = #map1}, {transform_indices = #map}]} {
    %mul3A = arith.constant 2 : i32
    %mul3A_0 = arith.muli %arg1, %mul3A : i32
    %add3A = arith.addi %mul3A_0, %arg0 : i32
    %mul3A_1 = arith.constant 512 : i32
    %mul3A_2 = arith.muli %add3A, %mul3A_1 : i32
    %add3A_3 = arith.constant 0 : i32
    %add3A_4 = arith.addi %mul3A_2, %add3A_3 : i32
    %run_scoped3A = arith.constant 0 : i32
    "tpu.region"() ({
      %run_scoped3A_120 = tpu.sem_alloc : memref<!tpu.dma_semaphore, #tpu.memory_space<semaphore_mem>>
      %dma_start3A_121 = arith.constant 0 : i32
      %dma_start3A_122 = tpu.memref_slice %arg5[%run_scoped3A, %dma_start3A_121] : memref<4x128xi32, #tpu.memory_space<vmem>> -> memref<1x128xi32, #tpu.memory_space<vmem>>
      %dma_start3A_123 = tpu.memref_squeeze %dma_start3A_122 : memref<1x128xi32, #tpu.memory_space<vmem>> -> memref<128xi32, #tpu.memory_space<vmem>>
      %dma_start3A_124 = tpu.memref_slice %arg3[%add3A_4] : memref<16384xi32, #tpu.memory_space<hbm>> -> memref<128xi32, #tpu.memory_space<hbm>>
      %dma_start3A_125 = arith.constant 0 : i32
      %dma_start3A_126 = tpu.memref_slice %arg5[%run_scoped3A, %dma_start3A_125] : memref<4x128xi32, #tpu.memory_space<vmem>> -> memref<1x128xi32, #tpu.memory_space<vmem>>
      %dma_start3A_127 = tpu.memref_squeeze %dma_start3A_126 : memref<1x128xi32, #tpu.memory_space<vmem>> -> memref<128xi32, #tpu.memory_space<vmem>>
      %dma_start3A_128 = tpu.memref_slice %arg3[%add3A_4] : memref<16384xi32, #tpu.memory_space<hbm>> -> memref<128xi32, #tpu.memory_space<hbm>>
      tpu.enqueue_dma source(%dma_start3A_128 : memref<128xi32, #tpu.memory_space<hbm>>) target(%dma_start3A_127 : memref<128xi32, #tpu.memory_space<vmem>>) target_semaphore(%run_scoped3A_120 : memref<!tpu.dma_semaphore, #tpu.memory_space<semaphore_mem>>)
      %dma_wait3A_129 = arith.constant 0 : i32
      %dma_wait3A_130 = tpu.memref_slice %arg5[%run_scoped3A, %dma_wait3A_129] : memref<4x128xi32, #tpu.memory_space<vmem>> -> memref<1x128xi32, #tpu.memory_space<vmem>>
      %dma_wait3A_131 = tpu.memref_squeeze %dma_wait3A_130 : memref<1x128xi32, #tpu.memory_space<vmem>> -> memref<128xi32, #tpu.memory_space<vmem>>
      %dma_wait3A_132 = tpu.memref_slice %arg3[%add3A_4] : memref<16384xi32, #tpu.memory_space<hbm>> -> memref<128xi32, #tpu.memory_space<hbm>>
      %dma_wait3A_133 = arith.constant 0 : i32
      %dma_wait3A_134 = tpu.memref_slice %arg5[%run_scoped3A, %dma_wait3A_133] : memref<4x128xi32, #tpu.memory_space<vmem>> -> memref<1x128xi32, #tpu.memory_space<vmem>>
      %dma_wait3A_135 = tpu.memref_squeeze %dma_wait3A_134 : memref<1x128xi32, #tpu.memory_space<vmem>> -> memref<128xi32, #tpu.memory_space<vmem>>
      %dma_wait3A_136 = tpu.memref_slice %arg3[%add3A_4] : memref<16384xi32, #tpu.memory_space<hbm>> -> memref<128xi32, #tpu.memory_space<hbm>>
      tpu.wait_dma2 semaphore(%run_scoped3A_120 : memref<!tpu.dma_semaphore, #tpu.memory_space<semaphore_mem>>) src(%dma_wait3A_136 : memref<128xi32, #tpu.memory_space<hbm>>) dst(%dma_wait3A_135 : memref<128xi32, #tpu.memory_space<vmem>>)
      tpu.yield
    }) : () -> ()
    %add3A_5 = arith.constant 128 : i32
    %add3A_6 = arith.addi %mul3A_2, %add3A_5 : i32
    %run_scoped3A_7 = arith.constant 1 : i32
    "tpu.region"() ({
      %run_scoped3A_120 = tpu.sem_alloc : memref<!tpu.dma_semaphore, #tpu.memory_space<semaphore_mem>>
      %dma_start3A_121 = arith.constant 0 : i32
      %dma_start3A_122 = tpu.memref_slice %arg5[%run_scoped3A_7, %dma_start3A_121] : memref<4x128xi32, #tpu.memory_space<vmem>> -> memref<1x128xi32, #tpu.memory_space<vmem>>
      %dma_start3A_123 = tpu.memref_squeeze %dma_start3A_122 : memref<1x128xi32, #tpu.memory_space<vmem>> -> memref<128xi32, #tpu.memory_space<vmem>>
      %dma_start3A_124 = tpu.memref_slice %arg3[%add3A_6] : memref<16384xi32, #tpu.memory_space<hbm>> -> memref<128xi32, #tpu.memory_space<hbm>>
      %dma_start3A_125 = arith.constant 0 : i32
      %dma_start3A_126 = tpu.memref_slice %arg5[%run_scoped3A_7, %dma_start3A_125] : memref<4x128xi32, #tpu.memory_space<vmem>> -> memref<1x128xi32, #tpu.memory_space<vmem>>
      %dma_start3A_127 = tpu.memref_squeeze %dma_start3A_126 : memref<1x128xi32, #tpu.memory_space<vmem>> -> memref<128xi32, #tpu.memory_space<vmem>>
      %dma_start3A_128 = tpu.memref_slice %arg3[%add3A_6] : memref<16384xi32, #tpu.memory_space<hbm>> -> memref<128xi32, #tpu.memory_space<hbm>>
      tpu.enqueue_dma source(%dma_start3A_128 : memref<128xi32, #tpu.memory_space<hbm>>) target(%dma_start3A_127 : memref<128xi32, #tpu.memory_space<vmem>>) target_semaphore(%run_scoped3A_120 : memref<!tpu.dma_semaphore, #tpu.memory_space<semaphore_mem>>)
      %dma_wait3A_129 = arith.constant 0 : i32
      %dma_wait3A_130 = tpu.memref_slice %arg5[%run_scoped3A_7, %dma_wait3A_129] : memref<4x128xi32, #tpu.memory_space<vmem>> -> memref<1x128xi32, #tpu.memory_space<vmem>>
      %dma_wait3A_131 = tpu.memref_squeeze %dma_wait3A_130 : memref<1x128xi32, #tpu.memory_space<vmem>> -> memref<128xi32, #tpu.memory_space<vmem>>
      %dma_wait3A_132 = tpu.memref_slice %arg3[%add3A_6] : memref<16384xi32, #tpu.memory_space<hbm>> -> memref<128xi32, #tpu.memory_space<hbm>>
      %dma_wait3A_133 = arith.constant 0 : i32
      %dma_wait3A_134 = tpu.memref_slice %arg5[%run_scoped3A_7, %dma_wait3A_133] : memref<4x128xi32, #tpu.memory_space<vmem>> -> memref<1x128xi32, #tpu.memory_space<vmem>>
      %dma_wait3A_135 = tpu.memref_squeeze %dma_wait3A_134 : memref<1x128xi32, #tpu.memory_space<vmem>> -> memref<128xi32, #tpu.memory_space<vmem>>
      %dma_wait3A_136 = tpu.memref_slice %arg3[%add3A_6] : memref<16384xi32, #tpu.memory_space<hbm>> -> memref<128xi32, #tpu.memory_space<hbm>>
      tpu.wait_dma2 semaphore(%run_scoped3A_120 : memref<!tpu.dma_semaphore, #tpu.memory_space<semaphore_mem>>) src(%dma_wait3A_136 : memref<128xi32, #tpu.memory_space<hbm>>) dst(%dma_wait3A_135 : memref<128xi32, #tpu.memory_space<vmem>>)
      tpu.yield
    }) : () -> ()
    %add3A_8 = arith.constant 256 : i32
    %add3A_9 = arith.addi %mul3A_2, %add3A_8 : i32
    %run_scoped3A_10 = arith.constant 2 : i32
    "tpu.region"() ({
      %run_scoped3A_120 = tpu.sem_alloc : memref<!tpu.dma_semaphore, #tpu.memory_space<semaphore_mem>>
      %dma_start3A_121 = arith.constant 0 : i32
      %dma_start3A_122 = tpu.memref_slice %arg5[%run_scoped3A_10, %dma_start3A_121] : memref<4x128xi32, #tpu.memory_space<vmem>> -> memref<1x128xi32, #tpu.memory_space<vmem>>
      %dma_start3A_123 = tpu.memref_squeeze %dma_start3A_122 : memref<1x128xi32, #tpu.memory_space<vmem>> -> memref<128xi32, #tpu.memory_space<vmem>>
      %dma_start3A_124 = tpu.memref_slice %arg3[%add3A_9] : memref<16384xi32, #tpu.memory_space<hbm>> -> memref<128xi32, #tpu.memory_space<hbm>>
      %dma_start3A_125 = arith.constant 0 : i32
      %dma_start3A_126 = tpu.memref_slice %arg5[%run_scoped3A_10, %dma_start3A_125] : memref<4x128xi32, #tpu.memory_space<vmem>> -> memref<1x128xi32, #tpu.memory_space<vmem>>
      %dma_start3A_127 = tpu.memref_squeeze %dma_start3A_126 : memref<1x128xi32, #tpu.memory_space<vmem>> -> memref<128xi32, #tpu.memory_space<vmem>>
      %dma_start3A_128 = tpu.memref_slice %arg3[%add3A_9] : memref<16384xi32, #tpu.memory_space<hbm>> -> memref<128xi32, #tpu.memory_space<hbm>>
      tpu.enqueue_dma source(%dma_start3A_128 : memref<128xi32, #tpu.memory_space<hbm>>) target(%dma_start3A_127 : memref<128xi32, #tpu.memory_space<vmem>>) target_semaphore(%run_scoped3A_120 : memref<!tpu.dma_semaphore, #tpu.memory_space<semaphore_mem>>)
      %dma_wait3A_129 = arith.constant 0 : i32
      %dma_wait3A_130 = tpu.memref_slice %arg5[%run_scoped3A_10, %dma_wait3A_129] : memref<4x128xi32, #tpu.memory_space<vmem>> -> memref<1x128xi32, #tpu.memory_space<vmem>>
      %dma_wait3A_131 = tpu.memref_squeeze %dma_wait3A_130 : memref<1x128xi32, #tpu.memory_space<vmem>> -> memref<128xi32, #tpu.memory_space<vmem>>
      %dma_wait3A_132 = tpu.memref_slice %arg3[%add3A_9] : memref<16384xi32, #tpu.memory_space<hbm>> -> memref<128xi32, #tpu.memory_space<hbm>>
      %dma_wait3A_133 = arith.constant 0 : i32
      %dma_wait3A_134 = tpu.memref_slice %arg5[%run_scoped3A_10, %dma_wait3A_133] : memref<4x128xi32, #tpu.memory_space<vmem>> -> memref<1x128xi32, #tpu.memory_space<vmem>>
      %dma_wait3A_135 = tpu.memref_squeeze %dma_wait3A_134 : memref<1x128xi32, #tpu.memory_space<vmem>> -> memref<128xi32, #tpu.memory_space<vmem>>
      %dma_wait3A_136 = tpu.memref_slice %arg3[%add3A_9] : memref<16384xi32, #tpu.memory_space<hbm>> -> memref<128xi32, #tpu.memory_space<hbm>>
      tpu.wait_dma2 semaphore(%run_scoped3A_120 : memref<!tpu.dma_semaphore, #tpu.memory_space<semaphore_mem>>) src(%dma_wait3A_136 : memref<128xi32, #tpu.memory_space<hbm>>) dst(%dma_wait3A_135 : memref<128xi32, #tpu.memory_space<vmem>>)
      tpu.yield
    }) : () -> ()
    %add3A_11 = arith.constant 384 : i32
    %add3A_12 = arith.addi %mul3A_2, %add3A_11 : i32
    %run_scoped3A_13 = arith.constant 3 : i32
    "tpu.region"() ({
      %run_scoped3A_120 = tpu.sem_alloc : memref<!tpu.dma_semaphore, #tpu.memory_space<semaphore_mem>>
      %dma_start3A_121 = arith.constant 0 : i32
      %dma_start3A_122 = tpu.memref_slice %arg5[%run_scoped3A_13, %dma_start3A_121] : memref<4x128xi32, #tpu.memory_space<vmem>> -> memref<1x128xi32, #tpu.memory_space<vmem>>
      %dma_start3A_123 = tpu.memref_squeeze %dma_start3A_122 : memref<1x128xi32, #tpu.memory_space<vmem>> -> memref<128xi32, #tpu.memory_space<vmem>>
      %dma_start3A_124 = tpu.memref_slice %arg3[%add3A_12] : memref<16384xi32, #tpu.memory_space<hbm>> -> memref<128xi32, #tpu.memory_space<hbm>>
      %dma_start3A_125 = arith.constant 0 : i32
      %dma_start3A_126 = tpu.memref_slice %arg5[%run_scoped3A_13, %dma_start3A_125] : memref<4x128xi32, #tpu.memory_space<vmem>> -> memref<1x128xi32, #tpu.memory_space<vmem>>
      %dma_start3A_127 = tpu.memref_squeeze %dma_start3A_126 : memref<1x128xi32, #tpu.memory_space<vmem>> -> memref<128xi32, #tpu.memory_space<vmem>>
      %dma_start3A_128 = tpu.memref_slice %arg3[%add3A_12] : memref<16384xi32, #tpu.memory_space<hbm>> -> memref<128xi32, #tpu.memory_space<hbm>>
      tpu.enqueue_dma source(%dma_start3A_128 : memref<128xi32, #tpu.memory_space<hbm>>) target(%dma_start3A_127 : memref<128xi32, #tpu.memory_space<vmem>>) target_semaphore(%run_scoped3A_120 : memref<!tpu.dma_semaphore, #tpu.memory_space<semaphore_mem>>)
      %dma_wait3A_129 = arith.constant 0 : i32
      %dma_wait3A_130 = tpu.memref_slice %arg5[%run_scoped3A_13, %dma_wait3A_129] : memref<4x128xi32, #tpu.memory_space<vmem>> -> memref<1x128xi32, #tpu.memory_space<vmem>>
      %dma_wait3A_131 = tpu.memref_squeeze %dma_wait3A_130 : memref<1x128xi32, #tpu.memory_space<vmem>> -> memref<128xi32, #tpu.memory_space<vmem>>
      %dma_wait3A_132 = tpu.memref_slice %arg3[%add3A_12] : memref<16384xi32, #tpu.memory_space<hbm>> -> memref<128xi32, #tpu.memory_space<hbm>>
      %dma_wait3A_133 = arith.constant 0 : i32
      %dma_wait3A_134 = tpu.memref_slice %arg5[%run_scoped3A_13, %dma_wait3A_133] : memref<4x128xi32, #tpu.memory_space<vmem>> -> memref<1x128xi32, #tpu.memory_space<vmem>>
      %dma_wait3A_135 = tpu.memref_squeeze %dma_wait3A_134 : memref<1x128xi32, #tpu.memory_space<vmem>> -> memref<128xi32, #tpu.memory_space<vmem>>
      %dma_wait3A_136 = tpu.memref_slice %arg3[%add3A_12] : memref<16384xi32, #tpu.memory_space<hbm>> -> memref<128xi32, #tpu.memory_space<hbm>>
      tpu.wait_dma2 semaphore(%run_scoped3A_120 : memref<!tpu.dma_semaphore, #tpu.memory_space<semaphore_mem>>) src(%dma_wait3A_136 : memref<128xi32, #tpu.memory_space<hbm>>) dst(%dma_wait3A_135 : memref<128xi32, #tpu.memory_space<vmem>>)
      tpu.yield
    }) : () -> ()
    %dma_start3A = arith.constant 0 : i32
    %dma_start3A_14 = arith.constant 0 : i32
    %dma_start3A_15 = arith.constant 0 : i32
    %dma_start3A_16 = arith.constant 0 : i32
    %dma_start3A_17 = tpu.memref_slice %arg6[%dma_start3A_14, %dma_start3A_15, %dma_start3A_16] : memref<4x128x128xf32, #tpu.memory_space<vmem>> -> memref<1x128x128xf32, #tpu.memory_space<vmem>>
    %dma_start3A_18 = tpu.memref_squeeze %dma_start3A_17 : memref<1x128x128xf32, #tpu.memory_space<vmem>> -> memref<128x128xf32, #tpu.memory_space<vmem>>
    %dma_start3A_19 = arith.constant 0 : i32
    %dma_start3A_20 = tpu.memref_slice %arg5[%dma_start3A, %dma_start3A_19] : memref<4x128xi32, #tpu.memory_space<vmem>> -> memref<1x128xi32, #tpu.memory_space<vmem>>
    %dma_start3A_21 = tpu.memref_squeeze %dma_start3A_20 : memref<1x128xi32, #tpu.memory_space<vmem>> -> memref<128xi32, #tpu.memory_space<vmem>>
    %dma_start3A_22 = arith.constant 0 : i32
    %dma_start3A_23 = arith.constant 0 : i32
    %dma_start3A_24 = tpu.memref_slice %arg2[%dma_start3A_22, %dma_start3A_23] : memref<4096x128xf32, #tpu.memory_space<hbm>> -> memref<4096x128xf32, #tpu.memory_space<hbm>>
    tpu.enqueue_indirect_dma source(%dma_start3A_24 : memref<4096x128xf32, #tpu.memory_space<hbm>>) target(%dma_start3A_18 : memref<128x128xf32, #tpu.memory_space<vmem>>) offsets(%dma_start3A_21 : memref<128xi32, #tpu.memory_space<vmem>>) semaphore(%arg7 : memref<!tpu.dma_semaphore, #tpu.memory_space<semaphore_mem>>)
    %dma_start3A_25 = arith.constant 1 : i32
    %dma_start3A_26 = arith.constant 1 : i32
    %dma_start3A_27 = arith.constant 0 : i32
    %dma_start3A_28 = arith.constant 0 : i32
    %dma_start3A_29 = tpu.memref_slice %arg6[%dma_start3A_26, %dma_start3A_27, %dma_start3A_28] : memref<4x128x128xf32, #tpu.memory_space<vmem>> -> memref<1x128x128xf32, #tpu.memory_space<vmem>>
    %dma_start3A_30 = tpu.memref_squeeze %dma_start3A_29 : memref<1x128x128xf32, #tpu.memory_space<vmem>> -> memref<128x128xf32, #tpu.memory_space<vmem>>
    %dma_start3A_31 = arith.constant 0 : i32
    %dma_start3A_32 = tpu.memref_slice %arg5[%dma_start3A_25, %dma_start3A_31] : memref<4x128xi32, #tpu.memory_space<vmem>> -> memref<1x128xi32, #tpu.memory_space<vmem>>
    %dma_start3A_33 = tpu.memref_squeeze %dma_start3A_32 : memref<1x128xi32, #tpu.memory_space<vmem>> -> memref<128xi32, #tpu.memory_space<vmem>>
    %dma_start3A_34 = arith.constant 0 : i32
    %dma_start3A_35 = arith.constant 0 : i32
    %dma_start3A_36 = tpu.memref_slice %arg2[%dma_start3A_34, %dma_start3A_35] : memref<4096x128xf32, #tpu.memory_space<hbm>> -> memref<4096x128xf32, #tpu.memory_space<hbm>>
    tpu.enqueue_indirect_dma source(%dma_start3A_36 : memref<4096x128xf32, #tpu.memory_space<hbm>>) target(%dma_start3A_30 : memref<128x128xf32, #tpu.memory_space<vmem>>) offsets(%dma_start3A_33 : memref<128xi32, #tpu.memory_space<vmem>>) semaphore(%arg7 : memref<!tpu.dma_semaphore, #tpu.memory_space<semaphore_mem>>)
    %dma_start3A_37 = arith.constant 2 : i32
    %dma_start3A_38 = arith.constant 2 : i32
    %dma_start3A_39 = arith.constant 0 : i32
    %dma_start3A_40 = arith.constant 0 : i32
    %dma_start3A_41 = tpu.memref_slice %arg6[%dma_start3A_38, %dma_start3A_39, %dma_start3A_40] : memref<4x128x128xf32, #tpu.memory_space<vmem>> -> memref<1x128x128xf32, #tpu.memory_space<vmem>>
    %dma_start3A_42 = tpu.memref_squeeze %dma_start3A_41 : memref<1x128x128xf32, #tpu.memory_space<vmem>> -> memref<128x128xf32, #tpu.memory_space<vmem>>
    %dma_start3A_43 = arith.constant 0 : i32
    %dma_start3A_44 = tpu.memref_slice %arg5[%dma_start3A_37, %dma_start3A_43] : memref<4x128xi32, #tpu.memory_space<vmem>> -> memref<1x128xi32, #tpu.memory_space<vmem>>
    %dma_start3A_45 = tpu.memref_squeeze %dma_start3A_44 : memref<1x128xi32, #tpu.memory_space<vmem>> -> memref<128xi32, #tpu.memory_space<vmem>>
    %dma_start3A_46 = arith.constant 0 : i32
    %dma_start3A_47 = arith.constant 0 : i32
    %dma_start3A_48 = tpu.memref_slice %arg2[%dma_start3A_46, %dma_start3A_47] : memref<4096x128xf32, #tpu.memory_space<hbm>> -> memref<4096x128xf32, #tpu.memory_space<hbm>>
    tpu.enqueue_indirect_dma source(%dma_start3A_48 : memref<4096x128xf32, #tpu.memory_space<hbm>>) target(%dma_start3A_42 : memref<128x128xf32, #tpu.memory_space<vmem>>) offsets(%dma_start3A_45 : memref<128xi32, #tpu.memory_space<vmem>>) semaphore(%arg7 : memref<!tpu.dma_semaphore, #tpu.memory_space<semaphore_mem>>)
    %dma_start3A_49 = arith.constant 3 : i32
    %dma_start3A_50 = arith.constant 3 : i32
    %dma_start3A_51 = arith.constant 0 : i32
    %dma_start3A_52 = arith.constant 0 : i32
    %dma_start3A_53 = tpu.memref_slice %arg6[%dma_start3A_50, %dma_start3A_51, %dma_start3A_52] : memref<4x128x128xf32, #tpu.memory_space<vmem>> -> memref<1x128x128xf32, #tpu.memory_space<vmem>>
    %dma_start3A_54 = tpu.memref_squeeze %dma_start3A_53 : memref<1x128x128xf32, #tpu.memory_space<vmem>> -> memref<128x128xf32, #tpu.memory_space<vmem>>
    %dma_start3A_55 = arith.constant 0 : i32
    %dma_start3A_56 = tpu.memref_slice %arg5[%dma_start3A_49, %dma_start3A_55] : memref<4x128xi32, #tpu.memory_space<vmem>> -> memref<1x128xi32, #tpu.memory_space<vmem>>
    %dma_start3A_57 = tpu.memref_squeeze %dma_start3A_56 : memref<1x128xi32, #tpu.memory_space<vmem>> -> memref<128xi32, #tpu.memory_space<vmem>>
    %dma_start3A_58 = arith.constant 0 : i32
    %dma_start3A_59 = arith.constant 0 : i32
    %dma_start3A_60 = tpu.memref_slice %arg2[%dma_start3A_58, %dma_start3A_59] : memref<4096x128xf32, #tpu.memory_space<hbm>> -> memref<4096x128xf32, #tpu.memory_space<hbm>>
    tpu.enqueue_indirect_dma source(%dma_start3A_60 : memref<4096x128xf32, #tpu.memory_space<hbm>>) target(%dma_start3A_54 : memref<128x128xf32, #tpu.memory_space<vmem>>) offsets(%dma_start3A_57 : memref<128xi32, #tpu.memory_space<vmem>>) semaphore(%arg7 : memref<!tpu.dma_semaphore, #tpu.memory_space<semaphore_mem>>)
    %dma_wait3A = arith.constant 0 : i32
    %dma_wait3A_61 = arith.constant 0 : i32
    %dma_wait3A_62 = arith.constant 0 : i32
    %dma_wait3A_63 = arith.constant 0 : i32
    %dma_wait3A_64 = tpu.memref_slice %arg6[%dma_wait3A_61, %dma_wait3A_62, %dma_wait3A_63] : memref<4x128x128xf32, #tpu.memory_space<vmem>> -> memref<1x128x128xf32, #tpu.memory_space<vmem>>
    %dma_wait3A_65 = tpu.memref_squeeze %dma_wait3A_64 : memref<1x128x128xf32, #tpu.memory_space<vmem>> -> memref<128x128xf32, #tpu.memory_space<vmem>>
    %dma_wait3A_66 = arith.constant 0 : i32
    %dma_wait3A_67 = tpu.memref_slice %arg5[%dma_wait3A, %dma_wait3A_66] : memref<4x128xi32, #tpu.memory_space<vmem>> -> memref<1x128xi32, #tpu.memory_space<vmem>>
    %dma_wait3A_68 = tpu.memref_squeeze %dma_wait3A_67 : memref<1x128xi32, #tpu.memory_space<vmem>> -> memref<128xi32, #tpu.memory_space<vmem>>
    %dma_wait3A_69 = arith.constant 0 : i32
    %dma_wait3A_70 = arith.constant 0 : i32
    %dma_wait3A_71 = tpu.memref_slice %arg2[%dma_wait3A_69, %dma_wait3A_70] : memref<4096x128xf32, #tpu.memory_space<hbm>> -> memref<4096x128xf32, #tpu.memory_space<hbm>>
    tpu.wait_indirect_dma semaphore(%arg7 : memref<!tpu.dma_semaphore, #tpu.memory_space<semaphore_mem>>) src(%dma_wait3A_71 : memref<4096x128xf32, #tpu.memory_space<hbm>>) dst(%dma_wait3A_65 : memref<128x128xf32, #tpu.memory_space<vmem>>)
    %dma_wait3A_72 = arith.constant 1 : i32
    %dma_wait3A_73 = arith.constant 1 : i32
    %dma_wait3A_74 = arith.constant 0 : i32
    %dma_wait3A_75 = arith.constant 0 : i32
    %dma_wait3A_76 = tpu.memref_slice %arg6[%dma_wait3A_73, %dma_wait3A_74, %dma_wait3A_75] : memref<4x128x128xf32, #tpu.memory_space<vmem>> -> memref<1x128x128xf32, #tpu.memory_space<vmem>>
    %dma_wait3A_77 = tpu.memref_squeeze %dma_wait3A_76 : memref<1x128x128xf32, #tpu.memory_space<vmem>> -> memref<128x128xf32, #tpu.memory_space<vmem>>
    %dma_wait3A_78 = arith.constant 0 : i32
    %dma_wait3A_79 = tpu.memref_slice %arg5[%dma_wait3A_72, %dma_wait3A_78] : memref<4x128xi32, #tpu.memory_space<vmem>> -> memref<1x128xi32, #tpu.memory_space<vmem>>
    %dma_wait3A_80 = tpu.memref_squeeze %dma_wait3A_79 : memref<1x128xi32, #tpu.memory_space<vmem>> -> memref<128xi32, #tpu.memory_space<vmem>>
    %dma_wait3A_81 = arith.constant 0 : i32
    %dma_wait3A_82 = arith.constant 0 : i32
    %dma_wait3A_83 = tpu.memref_slice %arg2[%dma_wait3A_81, %dma_wait3A_82] : memref<4096x128xf32, #tpu.memory_space<hbm>> -> memref<4096x128xf32, #tpu.memory_space<hbm>>
    tpu.wait_indirect_dma semaphore(%arg7 : memref<!tpu.dma_semaphore, #tpu.memory_space<semaphore_mem>>) src(%dma_wait3A_83 : memref<4096x128xf32, #tpu.memory_space<hbm>>) dst(%dma_wait3A_77 : memref<128x128xf32, #tpu.memory_space<vmem>>)
    %dma_wait3A_84 = arith.constant 2 : i32
    %dma_wait3A_85 = arith.constant 2 : i32
    %dma_wait3A_86 = arith.constant 0 : i32
    %dma_wait3A_87 = arith.constant 0 : i32
    %dma_wait3A_88 = tpu.memref_slice %arg6[%dma_wait3A_85, %dma_wait3A_86, %dma_wait3A_87] : memref<4x128x128xf32, #tpu.memory_space<vmem>> -> memref<1x128x128xf32, #tpu.memory_space<vmem>>
    %dma_wait3A_89 = tpu.memref_squeeze %dma_wait3A_88 : memref<1x128x128xf32, #tpu.memory_space<vmem>> -> memref<128x128xf32, #tpu.memory_space<vmem>>
    %dma_wait3A_90 = arith.constant 0 : i32
    %dma_wait3A_91 = tpu.memref_slice %arg5[%dma_wait3A_84, %dma_wait3A_90] : memref<4x128xi32, #tpu.memory_space<vmem>> -> memref<1x128xi32, #tpu.memory_space<vmem>>
    %dma_wait3A_92 = tpu.memref_squeeze %dma_wait3A_91 : memref<1x128xi32, #tpu.memory_space<vmem>> -> memref<128xi32, #tpu.memory_space<vmem>>
    %dma_wait3A_93 = arith.constant 0 : i32
    %dma_wait3A_94 = arith.constant 0 : i32
    %dma_wait3A_95 = tpu.memref_slice %arg2[%dma_wait3A_93, %dma_wait3A_94] : memref<4096x128xf32, #tpu.memory_space<hbm>> -> memref<4096x128xf32, #tpu.memory_space<hbm>>
    tpu.wait_indirect_dma semaphore(%arg7 : memref<!tpu.dma_semaphore, #tpu.memory_space<semaphore_mem>>) src(%dma_wait3A_95 : memref<4096x128xf32, #tpu.memory_space<hbm>>) dst(%dma_wait3A_89 : memref<128x128xf32, #tpu.memory_space<vmem>>)
    %dma_wait3A_96 = arith.constant 3 : i32
    %dma_wait3A_97 = arith.constant 3 : i32
    %dma_wait3A_98 = arith.constant 0 : i32
    %dma_wait3A_99 = arith.constant 0 : i32
    %dma_wait3A_100 = tpu.memref_slice %arg6[%dma_wait3A_97, %dma_wait3A_98, %dma_wait3A_99] : memref<4x128x128xf32, #tpu.memory_space<vmem>> -> memref<1x128x128xf32, #tpu.memory_space<vmem>>
    %dma_wait3A_101 = tpu.memref_squeeze %dma_wait3A_100 : memref<1x128x128xf32, #tpu.memory_space<vmem>> -> memref<128x128xf32, #tpu.memory_space<vmem>>
    %dma_wait3A_102 = arith.constant 0 : i32
    %dma_wait3A_103 = tpu.memref_slice %arg5[%dma_wait3A_96, %dma_wait3A_102] : memref<4x128xi32, #tpu.memory_space<vmem>> -> memref<1x128xi32, #tpu.memory_space<vmem>>
    %dma_wait3A_104 = tpu.memref_squeeze %dma_wait3A_103 : memref<1x128xi32, #tpu.memory_space<vmem>> -> memref<128xi32, #tpu.memory_space<vmem>>
    %dma_wait3A_105 = arith.constant 0 : i32
    %dma_wait3A_106 = arith.constant 0 : i32
    %dma_wait3A_107 = tpu.memref_slice %arg2[%dma_wait3A_105, %dma_wait3A_106] : memref<4096x128xf32, #tpu.memory_space<hbm>> -> memref<4096x128xf32, #tpu.memory_space<hbm>>
    tpu.wait_indirect_dma semaphore(%arg7 : memref<!tpu.dma_semaphore, #tpu.memory_space<semaphore_mem>>) src(%dma_wait3A_107 : memref<4096x128xf32, #tpu.memory_space<hbm>>) dst(%dma_wait3A_101 : memref<128x128xf32, #tpu.memory_space<vmem>>)
    %add3A_108 = arith.constant 0 : i32
    %add3A_109 = arith.addi %mul3A_2, %add3A_108 : i32
    %run_scoped3A_110 = arith.constant 0 : i32
    "tpu.region"() ({
      %run_scoped3A_120 = tpu.sem_alloc : memref<!tpu.dma_semaphore, #tpu.memory_space<semaphore_mem>>
      %dma_start3A_121 = arith.constant 0 : i32
      %dma_start3A_122 = arith.constant 0 : i32
      %dma_start3A_123 = tpu.memref_slice %arg6[%run_scoped3A_110, %dma_start3A_121, %dma_start3A_122] : memref<4x128x128xf32, #tpu.memory_space<vmem>> -> memref<1x128x128xf32, #tpu.memory_space<vmem>>
      %dma_start3A_124 = tpu.memref_squeeze %dma_start3A_123 : memref<1x128x128xf32, #tpu.memory_space<vmem>> -> memref<128x128xf32, #tpu.memory_space<vmem>>
      %dma_start3A_125 = arith.constant 0 : i32
      %dma_start3A_126 = tpu.memref_slice %arg4[%add3A_109, %dma_start3A_125] : memref<16384x128xf32, #tpu.memory_space<hbm>> -> memref<128x128xf32, #tpu.memory_space<hbm>>
      %dma_start3A_127 = arith.constant 0 : i32
      %dma_start3A_128 = tpu.memref_slice %arg4[%add3A_109, %dma_start3A_127] : memref<16384x128xf32, #tpu.memory_space<hbm>> -> memref<128x128xf32, #tpu.memory_space<hbm>>
      %dma_start3A_129 = arith.constant 0 : i32
      %dma_start3A_130 = arith.constant 0 : i32
      %dma_start3A_131 = tpu.memref_slice %arg6[%run_scoped3A_110, %dma_start3A_129, %dma_start3A_130] : memref<4x128x128xf32, #tpu.memory_space<vmem>> -> memref<1x128x128xf32, #tpu.memory_space<vmem>>
      %dma_start3A_132 = tpu.memref_squeeze %dma_start3A_131 : memref<1x128x128xf32, #tpu.memory_space<vmem>> -> memref<128x128xf32, #tpu.memory_space<vmem>>
      tpu.enqueue_dma source(%dma_start3A_132 : memref<128x128xf32, #tpu.memory_space<vmem>>) target(%dma_start3A_128 : memref<128x128xf32, #tpu.memory_space<hbm>>) target_semaphore(%run_scoped3A_120 : memref<!tpu.dma_semaphore, #tpu.memory_space<semaphore_mem>>)
      %dma_wait3A_133 = arith.constant 0 : i32
      %dma_wait3A_134 = arith.constant 0 : i32
      %dma_wait3A_135 = tpu.memref_slice %arg6[%run_scoped3A_110, %dma_wait3A_133, %dma_wait3A_134] : memref<4x128x128xf32, #tpu.memory_space<vmem>> -> memref<1x128x128xf32, #tpu.memory_space<vmem>>
      %dma_wait3A_136 = tpu.memref_squeeze %dma_wait3A_135 : memref<1x128x128xf32, #tpu.memory_space<vmem>> -> memref<128x128xf32, #tpu.memory_space<vmem>>
      %dma_wait3A_137 = arith.constant 0 : i32
      %dma_wait3A_138 = tpu.memref_slice %arg4[%add3A_109, %dma_wait3A_137] : memref<16384x128xf32, #tpu.memory_space<hbm>> -> memref<128x128xf32, #tpu.memory_space<hbm>>
      %dma_wait3A_139 = arith.constant 0 : i32
      %dma_wait3A_140 = tpu.memref_slice %arg4[%add3A_109, %dma_wait3A_139] : memref<16384x128xf32, #tpu.memory_space<hbm>> -> memref<128x128xf32, #tpu.memory_space<hbm>>
      %dma_wait3A_141 = arith.constant 0 : i32
      %dma_wait3A_142 = arith.constant 0 : i32
      %dma_wait3A_143 = tpu.memref_slice %arg6[%run_scoped3A_110, %dma_wait3A_141, %dma_wait3A_142] : memref<4x128x128xf32, #tpu.memory_space<vmem>> -> memref<1x128x128xf32, #tpu.memory_space<vmem>>
      %dma_wait3A_144 = tpu.memref_squeeze %dma_wait3A_143 : memref<1x128x128xf32, #tpu.memory_space<vmem>> -> memref<128x128xf32, #tpu.memory_space<vmem>>
      tpu.wait_dma2 semaphore(%run_scoped3A_120 : memref<!tpu.dma_semaphore, #tpu.memory_space<semaphore_mem>>) src(%dma_wait3A_144 : memref<128x128xf32, #tpu.memory_space<vmem>>) dst(%dma_wait3A_140 : memref<128x128xf32, #tpu.memory_space<hbm>>)
      tpu.yield
    }) : () -> ()
    %add3A_111 = arith.constant 128 : i32
    %add3A_112 = arith.addi %mul3A_2, %add3A_111 : i32
    %run_scoped3A_113 = arith.constant 1 : i32
    "tpu.region"() ({
      %run_scoped3A_120 = tpu.sem_alloc : memref<!tpu.dma_semaphore, #tpu.memory_space<semaphore_mem>>
      %dma_start3A_121 = arith.constant 0 : i32
      %dma_start3A_122 = arith.constant 0 : i32
      %dma_start3A_123 = tpu.memref_slice %arg6[%run_scoped3A_113, %dma_start3A_121, %dma_start3A_122] : memref<4x128x128xf32, #tpu.memory_space<vmem>> -> memref<1x128x128xf32, #tpu.memory_space<vmem>>
      %dma_start3A_124 = tpu.memref_squeeze %dma_start3A_123 : memref<1x128x128xf32, #tpu.memory_space<vmem>> -> memref<128x128xf32, #tpu.memory_space<vmem>>
      %dma_start3A_125 = arith.constant 0 : i32
      %dma_start3A_126 = tpu.memref_slice %arg4[%add3A_112, %dma_start3A_125] : memref<16384x128xf32, #tpu.memory_space<hbm>> -> memref<128x128xf32, #tpu.memory_space<hbm>>
      %dma_start3A_127 = arith.constant 0 : i32
      %dma_start3A_128 = tpu.memref_slice %arg4[%add3A_112, %dma_start3A_127] : memref<16384x128xf32, #tpu.memory_space<hbm>> -> memref<128x128xf32, #tpu.memory_space<hbm>>
      %dma_start3A_129 = arith.constant 0 : i32
      %dma_start3A_130 = arith.constant 0 : i32
      %dma_start3A_131 = tpu.memref_slice %arg6[%run_scoped3A_113, %dma_start3A_129, %dma_start3A_130] : memref<4x128x128xf32, #tpu.memory_space<vmem>> -> memref<1x128x128xf32, #tpu.memory_space<vmem>>
      %dma_start3A_132 = tpu.memref_squeeze %dma_start3A_131 : memref<1x128x128xf32, #tpu.memory_space<vmem>> -> memref<128x128xf32, #tpu.memory_space<vmem>>
      tpu.enqueue_dma source(%dma_start3A_132 : memref<128x128xf32, #tpu.memory_space<vmem>>) target(%dma_start3A_128 : memref<128x128xf32, #tpu.memory_space<hbm>>) target_semaphore(%run_scoped3A_120 : memref<!tpu.dma_semaphore, #tpu.memory_space<semaphore_mem>>)
      %dma_wait3A_133 = arith.constant 0 : i32
      %dma_wait3A_134 = arith.constant 0 : i32
      %dma_wait3A_135 = tpu.memref_slice %arg6[%run_scoped3A_113, %dma_wait3A_133, %dma_wait3A_134] : memref<4x128x128xf32, #tpu.memory_space<vmem>> -> memref<1x128x128xf32, #tpu.memory_space<vmem>>
      %dma_wait3A_136 = tpu.memref_squeeze %dma_wait3A_135 : memref<1x128x128xf32, #tpu.memory_space<vmem>> -> memref<128x128xf32, #tpu.memory_space<vmem>>
      %dma_wait3A_137 = arith.constant 0 : i32
      %dma_wait3A_138 = tpu.memref_slice %arg4[%add3A_112, %dma_wait3A_137] : memref<16384x128xf32, #tpu.memory_space<hbm>> -> memref<128x128xf32, #tpu.memory_space<hbm>>
      %dma_wait3A_139 = arith.constant 0 : i32
      %dma_wait3A_140 = tpu.memref_slice %arg4[%add3A_112, %dma_wait3A_139] : memref<16384x128xf32, #tpu.memory_space<hbm>> -> memref<128x128xf32, #tpu.memory_space<hbm>>
      %dma_wait3A_141 = arith.constant 0 : i32
      %dma_wait3A_142 = arith.constant 0 : i32
      %dma_wait3A_143 = tpu.memref_slice %arg6[%run_scoped3A_113, %dma_wait3A_141, %dma_wait3A_142] : memref<4x128x128xf32, #tpu.memory_space<vmem>> -> memref<1x128x128xf32, #tpu.memory_space<vmem>>
      %dma_wait3A_144 = tpu.memref_squeeze %dma_wait3A_143 : memref<1x128x128xf32, #tpu.memory_space<vmem>> -> memref<128x128xf32, #tpu.memory_space<vmem>>
      tpu.wait_dma2 semaphore(%run_scoped3A_120 : memref<!tpu.dma_semaphore, #tpu.memory_space<semaphore_mem>>) src(%dma_wait3A_144 : memref<128x128xf32, #tpu.memory_space<vmem>>) dst(%dma_wait3A_140 : memref<128x128xf32, #tpu.memory_space<hbm>>)
      tpu.yield
    }) : () -> ()
    %add3A_114 = arith.constant 256 : i32
    %add3A_115 = arith.addi %mul3A_2, %add3A_114 : i32
    %run_scoped3A_116 = arith.constant 2 : i32
    "tpu.region"() ({
      %run_scoped3A_120 = tpu.sem_alloc : memref<!tpu.dma_semaphore, #tpu.memory_space<semaphore_mem>>
      %dma_start3A_121 = arith.constant 0 : i32
      %dma_start3A_122 = arith.constant 0 : i32
      %dma_start3A_123 = tpu.memref_slice %arg6[%run_scoped3A_116, %dma_start3A_121, %dma_start3A_122] : memref<4x128x128xf32, #tpu.memory_space<vmem>> -> memref<1x128x128xf32, #tpu.memory_space<vmem>>
      %dma_start3A_124 = tpu.memref_squeeze %dma_start3A_123 : memref<1x128x128xf32, #tpu.memory_space<vmem>> -> memref<128x128xf32, #tpu.memory_space<vmem>>
      %dma_start3A_125 = arith.constant 0 : i32
      %dma_start3A_126 = tpu.memref_slice %arg4[%add3A_115, %dma_start3A_125] : memref<16384x128xf32, #tpu.memory_space<hbm>> -> memref<128x128xf32, #tpu.memory_space<hbm>>
      %dma_start3A_127 = arith.constant 0 : i32
      %dma_start3A_128 = tpu.memref_slice %arg4[%add3A_115, %dma_start3A_127] : memref<16384x128xf32, #tpu.memory_space<hbm>> -> memref<128x128xf32, #tpu.memory_space<hbm>>
      %dma_start3A_129 = arith.constant 0 : i32
      %dma_start3A_130 = arith.constant 0 : i32
      %dma_start3A_131 = tpu.memref_slice %arg6[%run_scoped3A_116, %dma_start3A_129, %dma_start3A_130] : memref<4x128x128xf32, #tpu.memory_space<vmem>> -> memref<1x128x128xf32, #tpu.memory_space<vmem>>
      %dma_start3A_132 = tpu.memref_squeeze %dma_start3A_131 : memref<1x128x128xf32, #tpu.memory_space<vmem>> -> memref<128x128xf32, #tpu.memory_space<vmem>>
      tpu.enqueue_dma source(%dma_start3A_132 : memref<128x128xf32, #tpu.memory_space<vmem>>) target(%dma_start3A_128 : memref<128x128xf32, #tpu.memory_space<hbm>>) target_semaphore(%run_scoped3A_120 : memref<!tpu.dma_semaphore, #tpu.memory_space<semaphore_mem>>)
      %dma_wait3A_133 = arith.constant 0 : i32
      %dma_wait3A_134 = arith.constant 0 : i32
      %dma_wait3A_135 = tpu.memref_slice %arg6[%run_scoped3A_116, %dma_wait3A_133, %dma_wait3A_134] : memref<4x128x128xf32, #tpu.memory_space<vmem>> -> memref<1x128x128xf32, #tpu.memory_space<vmem>>
      %dma_wait3A_136 = tpu.memref_squeeze %dma_wait3A_135 : memref<1x128x128xf32, #tpu.memory_space<vmem>> -> memref<128x128xf32, #tpu.memory_space<vmem>>
      %dma_wait3A_137 = arith.constant 0 : i32
      %dma_wait3A_138 = tpu.memref_slice %arg4[%add3A_115, %dma_wait3A_137] : memref<16384x128xf32, #tpu.memory_space<hbm>> -> memref<128x128xf32, #tpu.memory_space<hbm>>
      %dma_wait3A_139 = arith.constant 0 : i32
      %dma_wait3A_140 = tpu.memref_slice %arg4[%add3A_115, %dma_wait3A_139] : memref<16384x128xf32, #tpu.memory_space<hbm>> -> memref<128x128xf32, #tpu.memory_space<hbm>>
      %dma_wait3A_141 = arith.constant 0 : i32
      %dma_wait3A_142 = arith.constant 0 : i32
      %dma_wait3A_143 = tpu.memref_slice %arg6[%run_scoped3A_116, %dma_wait3A_141, %dma_wait3A_142] : memref<4x128x128xf32, #tpu.memory_space<vmem>> -> memref<1x128x128xf32, #tpu.memory_space<vmem>>
      %dma_wait3A_144 = tpu.memref_squeeze %dma_wait3A_143 : memref<1x128x128xf32, #tpu.memory_space<vmem>> -> memref<128x128xf32, #tpu.memory_space<vmem>>
      tpu.wait_dma2 semaphore(%run_scoped3A_120 : memref<!tpu.dma_semaphore, #tpu.memory_space<semaphore_mem>>) src(%dma_wait3A_144 : memref<128x128xf32, #tpu.memory_space<vmem>>) dst(%dma_wait3A_140 : memref<128x128xf32, #tpu.memory_space<hbm>>)
      tpu.yield
    }) : () -> ()
    %add3A_117 = arith.constant 384 : i32
    %add3A_118 = arith.addi %mul3A_2, %add3A_117 : i32
    %run_scoped3A_119 = arith.constant 3 : i32
    "tpu.region"() ({
      %run_scoped3A_120 = tpu.sem_alloc : memref<!tpu.dma_semaphore, #tpu.memory_space<semaphore_mem>>
      %dma_start3A_121 = arith.constant 0 : i32
      %dma_start3A_122 = arith.constant 0 : i32
      %dma_start3A_123 = tpu.memref_slice %arg6[%run_scoped3A_119, %dma_start3A_121, %dma_start3A_122] : memref<4x128x128xf32, #tpu.memory_space<vmem>> -> memref<1x128x128xf32, #tpu.memory_space<vmem>>
      %dma_start3A_124 = tpu.memref_squeeze %dma_start3A_123 : memref<1x128x128xf32, #tpu.memory_space<vmem>> -> memref<128x128xf32, #tpu.memory_space<vmem>>
      %dma_start3A_125 = arith.constant 0 : i32
      %dma_start3A_126 = tpu.memref_slice %arg4[%add3A_118, %dma_start3A_125] : memref<16384x128xf32, #tpu.memory_space<hbm>> -> memref<128x128xf32, #tpu.memory_space<hbm>>
      %dma_start3A_127 = arith.constant 0 : i32
      %dma_start3A_128 = tpu.memref_slice %arg4[%add3A_118, %dma_start3A_127] : memref<16384x128xf32, #tpu.memory_space<hbm>> -> memref<128x128xf32, #tpu.memory_space<hbm>>
      %dma_start3A_129 = arith.constant 0 : i32
      %dma_start3A_130 = arith.constant 0 : i32
      %dma_start3A_131 = tpu.memref_slice %arg6[%run_scoped3A_119, %dma_start3A_129, %dma_start3A_130] : memref<4x128x128xf32, #tpu.memory_space<vmem>> -> memref<1x128x128xf32, #tpu.memory_space<vmem>>
      %dma_start3A_132 = tpu.memref_squeeze %dma_start3A_131 : memref<1x128x128xf32, #tpu.memory_space<vmem>> -> memref<128x128xf32, #tpu.memory_space<vmem>>
      tpu.enqueue_dma source(%dma_start3A_132 : memref<128x128xf32, #tpu.memory_space<vmem>>) target(%dma_start3A_128 : memref<128x128xf32, #tpu.memory_space<hbm>>) target_semaphore(%run_scoped3A_120 : memref<!tpu.dma_semaphore, #tpu.memory_space<semaphore_mem>>)
      %dma_wait3A_133 = arith.constant 0 : i32
      %dma_wait3A_134 = arith.constant 0 : i32
      %dma_wait3A_135 = tpu.memref_slice %arg6[%run_scoped3A_119, %dma_wait3A_133, %dma_wait3A_134] : memref<4x128x128xf32, #tpu.memory_space<vmem>> -> memref<1x128x128xf32, #tpu.memory_space<vmem>>
      %dma_wait3A_136 = tpu.memref_squeeze %dma_wait3A_135 : memref<1x128x128xf32, #tpu.memory_space<vmem>> -> memref<128x128xf32, #tpu.memory_space<vmem>>
      %dma_wait3A_137 = arith.constant 0 : i32
      %dma_wait3A_138 = tpu.memref_slice %arg4[%add3A_118, %dma_wait3A_137] : memref<16384x128xf32, #tpu.memory_space<hbm>> -> memref<128x128xf32, #tpu.memory_space<hbm>>
      %dma_wait3A_139 = arith.constant 0 : i32
      %dma_wait3A_140 = tpu.memref_slice %arg4[%add3A_118, %dma_wait3A_139] : memref<16384x128xf32, #tpu.memory_space<hbm>> -> memref<128x128xf32, #tpu.memory_space<hbm>>
      %dma_wait3A_141 = arith.constant 0 : i32
      %dma_wait3A_142 = arith.constant 0 : i32
      %dma_wait3A_143 = tpu.memref_slice %arg6[%run_scoped3A_119, %dma_wait3A_141, %dma_wait3A_142] : memref<4x128x128xf32, #tpu.memory_space<vmem>> -> memref<1x128x128xf32, #tpu.memory_space<vmem>>
      %dma_wait3A_144 = tpu.memref_squeeze %dma_wait3A_143 : memref<1x128x128xf32, #tpu.memory_space<vmem>> -> memref<128x128xf32, #tpu.memory_space<vmem>>
      tpu.wait_dma2 semaphore(%run_scoped3A_120 : memref<!tpu.dma_semaphore, #tpu.memory_space<semaphore_mem>>) src(%dma_wait3A_144 : memref<128x128xf32, #tpu.memory_space<vmem>>) dst(%dma_wait3A_140 : memref<128x128xf32, #tpu.memory_space<hbm>>)
      tpu.yield
    }) : () -> ()
    return
  }
}

module attributes {stable_mosaic.version = 14 : i64} {
  func.func @_tile_kernel(%arg0: i32, %arg1: i32, %arg2: memref<1x512x3xf32, #tpu.memory_space<vmem>>, %arg3: memref<1x9x2048xf32, #tpu.memory_space<vmem>>, %arg4: memref<1x512x1xi32, #tpu.memory_space<vmem>>, %arg5: memref<1x512x1xf32, #tpu.memory_space<vmem>>, %arg6: memref<1x512x1xf32, #tpu.memory_space<vmem>>, %arg7: memref<1x512x1xf32, #tpu.memory_space<vmem>>) attributes {dimension_semantics = [#tpu.dimension_semantics<arbitrary>, #tpu.dimension_semantics<arbitrary>], iteration_bounds = array<i64: 2, 16>, scalar_prefetch = 0 : i64, scratch_operands = 0 : i64, tpu.core_type = #tpu.core_type<tc>, window_params = [{transform_indices = @transform_0, window_bounds = array<i64: 1, 512, 3>}, {transform_indices = @transform_1, window_bounds = array<i64: 1, 9, 2048>}, {transform_indices = @transform_2, window_bounds = array<i64: 1, 512, 1>}, {transform_indices = @transform_3, window_bounds = array<i64: 1, 512, 1>}, {transform_indices = @transform_4, window_bounds = array<i64: 1, 512, 1>}, {transform_indices = @transform_5, window_bounds = array<i64: 1, 512, 1>}]} {
    %get3A = arith.constant 0 : index
    %get3A_0 = arith.constant 0 : index
    %get3A_1 = arith.constant 0 : index
    %get3A_2 = vector.load %arg2[%get3A, %get3A_0, %get3A_1] : memref<1x512x3xf32, #tpu.memory_space<vmem>>, vector<1x512x3xf32>
    %get3A_3 = vector.shape_cast %get3A_2 : vector<1x512x3xf32> to vector<512x3xf32>
    %slice3A = vector.extract_strided_slice %get3A_3 {offsets = [0, 0], sizes = [512, 1], strides = [1, 1]} : vector<512x3xf32> to vector<512x1xf32>
    %slice3A_4 = vector.extract_strided_slice %get3A_3 {offsets = [0, 1], sizes = [512, 1], strides = [1, 1]} : vector<512x3xf32> to vector<512x1xf32>
    %slice3A_5 = vector.extract_strided_slice %get3A_3 {offsets = [0, 2], sizes = [512, 1], strides = [1, 1]} : vector<512x3xf32> to vector<512x1xf32>
    %get3A_6 = arith.constant 0 : index
    %get3A_7 = arith.constant 0 : index
    %get3A_8 = arith.constant 0 : index
    %get3A_9 = vector.load %arg3[%get3A_6, %get3A_7, %get3A_8] : memref<1x9x2048xf32, #tpu.memory_space<vmem>>, vector<1x9x2048xf32>
    %get3A_10 = vector.shape_cast %get3A_9 : vector<1x9x2048xf32> to vector<9x2048xf32>
    %slice3A_11 = vector.extract_strided_slice %get3A_10 {offsets = [0, 0], sizes = [1, 2048], strides = [1, 1]} : vector<9x2048xf32> to vector<1x2048xf32>
    %slice3A_12 = vector.extract_strided_slice %get3A_10 {offsets = [1, 0], sizes = [1, 2048], strides = [1, 1]} : vector<9x2048xf32> to vector<1x2048xf32>
    %slice3A_13 = vector.extract_strided_slice %get3A_10 {offsets = [2, 0], sizes = [1, 2048], strides = [1, 1]} : vector<9x2048xf32> to vector<1x2048xf32>
    %slice3A_14 = vector.extract_strided_slice %get3A_10 {offsets = [3, 0], sizes = [1, 2048], strides = [1, 1]} : vector<9x2048xf32> to vector<1x2048xf32>
    %slice3A_15 = vector.extract_strided_slice %get3A_10 {offsets = [4, 0], sizes = [1, 2048], strides = [1, 1]} : vector<9x2048xf32> to vector<1x2048xf32>
    %slice3A_16 = vector.extract_strided_slice %get3A_10 {offsets = [5, 0], sizes = [1, 2048], strides = [1, 1]} : vector<9x2048xf32> to vector<1x2048xf32>
    %slice3A_17 = vector.extract_strided_slice %get3A_10 {offsets = [6, 0], sizes = [1, 2048], strides = [1, 1]} : vector<9x2048xf32> to vector<1x2048xf32>
    %slice3A_18 = vector.extract_strided_slice %get3A_10 {offsets = [7, 0], sizes = [1, 2048], strides = [1, 1]} : vector<9x2048xf32> to vector<1x2048xf32>
    %slice3A_19 = vector.extract_strided_slice %get3A_10 {offsets = [8, 0], sizes = [1, 2048], strides = [1, 1]} : vector<9x2048xf32> to vector<1x2048xf32>
    %sub3A = arith.subf %slice3A_14, %slice3A_11 : vector<1x2048xf32>
    %sub3A_20 = arith.subf %slice3A_15, %slice3A_12 : vector<1x2048xf32>
    %sub3A_21 = arith.subf %slice3A_16, %slice3A_13 : vector<1x2048xf32>
    %sub3A_22 = arith.subf %slice3A_17, %slice3A_11 : vector<1x2048xf32>
    %sub3A_23 = arith.subf %slice3A_18, %slice3A_12 : vector<1x2048xf32>
    %sub3A_24 = arith.subf %slice3A_19, %slice3A_13 : vector<1x2048xf32>
    %sub3A_25 = vector.broadcast %slice3A : vector<512x1xf32> to vector<512x2048xf32>
    %sub3A_26 = vector.broadcast %slice3A_11 : vector<1x2048xf32> to vector<512x2048xf32>
    %sub3A_27 = arith.subf %sub3A_25, %sub3A_26 : vector<512x2048xf32>
    %sub3A_28 = vector.broadcast %slice3A_4 : vector<512x1xf32> to vector<512x2048xf32>
    %sub3A_29 = vector.broadcast %slice3A_12 : vector<1x2048xf32> to vector<512x2048xf32>
    %sub3A_30 = arith.subf %sub3A_28, %sub3A_29 : vector<512x2048xf32>
    %sub3A_31 = vector.broadcast %slice3A_5 : vector<512x1xf32> to vector<512x2048xf32>
    %sub3A_32 = vector.broadcast %slice3A_13 : vector<1x2048xf32> to vector<512x2048xf32>
    %sub3A_33 = arith.subf %sub3A_31, %sub3A_32 : vector<512x2048xf32>
    %mul3A = vector.broadcast %sub3A : vector<1x2048xf32> to vector<512x2048xf32>
    %mul3A_34 = arith.mulf %mul3A, %sub3A_27 : vector<512x2048xf32>
    %mul3A_35 = vector.broadcast %sub3A_20 : vector<1x2048xf32> to vector<512x2048xf32>
    %mul3A_36 = arith.mulf %mul3A_35, %sub3A_30 : vector<512x2048xf32>
    %add3A = arith.addf %mul3A_34, %mul3A_36 : vector<512x2048xf32>
    %mul3A_37 = vector.broadcast %sub3A_21 : vector<1x2048xf32> to vector<512x2048xf32>
    %mul3A_38 = arith.mulf %mul3A_37, %sub3A_33 : vector<512x2048xf32>
    %add3A_39 = arith.addf %add3A, %mul3A_38 : vector<512x2048xf32>
    %mul3A_40 = vector.broadcast %sub3A_22 : vector<1x2048xf32> to vector<512x2048xf32>
    %mul3A_41 = arith.mulf %mul3A_40, %sub3A_27 : vector<512x2048xf32>
    %mul3A_42 = vector.broadcast %sub3A_23 : vector<1x2048xf32> to vector<512x2048xf32>
    %mul3A_43 = arith.mulf %mul3A_42, %sub3A_30 : vector<512x2048xf32>
    %add3A_44 = arith.addf %mul3A_41, %mul3A_43 : vector<512x2048xf32>
    %mul3A_45 = vector.broadcast %sub3A_24 : vector<1x2048xf32> to vector<512x2048xf32>
    %mul3A_46 = arith.mulf %mul3A_45, %sub3A_33 : vector<512x2048xf32>
    %add3A_47 = arith.addf %add3A_44, %mul3A_46 : vector<512x2048xf32>
    %sub3A_48 = vector.broadcast %slice3A : vector<512x1xf32> to vector<512x2048xf32>
    %sub3A_49 = vector.broadcast %slice3A_14 : vector<1x2048xf32> to vector<512x2048xf32>
    %sub3A_50 = arith.subf %sub3A_48, %sub3A_49 : vector<512x2048xf32>
    %sub3A_51 = vector.broadcast %slice3A_4 : vector<512x1xf32> to vector<512x2048xf32>
    %sub3A_52 = vector.broadcast %slice3A_15 : vector<1x2048xf32> to vector<512x2048xf32>
    %sub3A_53 = arith.subf %sub3A_51, %sub3A_52 : vector<512x2048xf32>
    %sub3A_54 = vector.broadcast %slice3A_5 : vector<512x1xf32> to vector<512x2048xf32>
    %sub3A_55 = vector.broadcast %slice3A_16 : vector<1x2048xf32> to vector<512x2048xf32>
    %sub3A_56 = arith.subf %sub3A_54, %sub3A_55 : vector<512x2048xf32>
    %mul3A_57 = vector.broadcast %sub3A : vector<1x2048xf32> to vector<512x2048xf32>
    %mul3A_58 = arith.mulf %mul3A_57, %sub3A_50 : vector<512x2048xf32>
    %mul3A_59 = vector.broadcast %sub3A_20 : vector<1x2048xf32> to vector<512x2048xf32>
    %mul3A_60 = arith.mulf %mul3A_59, %sub3A_53 : vector<512x2048xf32>
    %add3A_61 = arith.addf %mul3A_58, %mul3A_60 : vector<512x2048xf32>
    %mul3A_62 = vector.broadcast %sub3A_21 : vector<1x2048xf32> to vector<512x2048xf32>
    %mul3A_63 = arith.mulf %mul3A_62, %sub3A_56 : vector<512x2048xf32>
    %add3A_64 = arith.addf %add3A_61, %mul3A_63 : vector<512x2048xf32>
    %mul3A_65 = vector.broadcast %sub3A_22 : vector<1x2048xf32> to vector<512x2048xf32>
    %mul3A_66 = arith.mulf %mul3A_65, %sub3A_50 : vector<512x2048xf32>
    %mul3A_67 = vector.broadcast %sub3A_23 : vector<1x2048xf32> to vector<512x2048xf32>
    %mul3A_68 = arith.mulf %mul3A_67, %sub3A_53 : vector<512x2048xf32>
    %add3A_69 = arith.addf %mul3A_66, %mul3A_68 : vector<512x2048xf32>
    %mul3A_70 = vector.broadcast %sub3A_24 : vector<1x2048xf32> to vector<512x2048xf32>
    %mul3A_71 = arith.mulf %mul3A_70, %sub3A_56 : vector<512x2048xf32>
    %add3A_72 = arith.addf %add3A_69, %mul3A_71 : vector<512x2048xf32>
    %sub3A_73 = vector.broadcast %slice3A : vector<512x1xf32> to vector<512x2048xf32>
    %sub3A_74 = vector.broadcast %slice3A_17 : vector<1x2048xf32> to vector<512x2048xf32>
    %sub3A_75 = arith.subf %sub3A_73, %sub3A_74 : vector<512x2048xf32>
    %sub3A_76 = vector.broadcast %slice3A_4 : vector<512x1xf32> to vector<512x2048xf32>
    %sub3A_77 = vector.broadcast %slice3A_18 : vector<1x2048xf32> to vector<512x2048xf32>
    %sub3A_78 = arith.subf %sub3A_76, %sub3A_77 : vector<512x2048xf32>
    %sub3A_79 = vector.broadcast %slice3A_5 : vector<512x1xf32> to vector<512x2048xf32>
    %sub3A_80 = vector.broadcast %slice3A_19 : vector<1x2048xf32> to vector<512x2048xf32>
    %sub3A_81 = arith.subf %sub3A_79, %sub3A_80 : vector<512x2048xf32>
    %mul3A_82 = vector.broadcast %sub3A : vector<1x2048xf32> to vector<512x2048xf32>
    %mul3A_83 = arith.mulf %mul3A_82, %sub3A_75 : vector<512x2048xf32>
    %mul3A_84 = vector.broadcast %sub3A_20 : vector<1x2048xf32> to vector<512x2048xf32>
    %mul3A_85 = arith.mulf %mul3A_84, %sub3A_78 : vector<512x2048xf32>
    %add3A_86 = arith.addf %mul3A_83, %mul3A_85 : vector<512x2048xf32>
    %mul3A_87 = vector.broadcast %sub3A_21 : vector<1x2048xf32> to vector<512x2048xf32>
    %mul3A_88 = arith.mulf %mul3A_87, %sub3A_81 : vector<512x2048xf32>
    %add3A_89 = arith.addf %add3A_86, %mul3A_88 : vector<512x2048xf32>
    %mul3A_90 = vector.broadcast %sub3A_22 : vector<1x2048xf32> to vector<512x2048xf32>
    %mul3A_91 = arith.mulf %mul3A_90, %sub3A_75 : vector<512x2048xf32>
    %mul3A_92 = vector.broadcast %sub3A_23 : vector<1x2048xf32> to vector<512x2048xf32>
    %mul3A_93 = arith.mulf %mul3A_92, %sub3A_78 : vector<512x2048xf32>
    %add3A_94 = arith.addf %mul3A_91, %mul3A_93 : vector<512x2048xf32>
    %mul3A_95 = vector.broadcast %sub3A_24 : vector<1x2048xf32> to vector<512x2048xf32>
    %mul3A_96 = arith.mulf %mul3A_95, %sub3A_81 : vector<512x2048xf32>
    %add3A_97 = arith.addf %add3A_94, %mul3A_96 : vector<512x2048xf32>
    %mul3A_98 = arith.mulf %add3A_64, %add3A_97 : vector<512x2048xf32>
    %mul3A_99 = arith.mulf %add3A_89, %add3A_72 : vector<512x2048xf32>
    %sub3A_100 = arith.subf %mul3A_98, %mul3A_99 : vector<512x2048xf32>
    %mul3A_101 = arith.mulf %add3A_89, %add3A_47 : vector<512x2048xf32>
    %mul3A_102 = arith.mulf %add3A_39, %add3A_97 : vector<512x2048xf32>
    %sub3A_103 = arith.subf %mul3A_101, %mul3A_102 : vector<512x2048xf32>
    %mul3A_104 = arith.mulf %add3A_39, %add3A_72 : vector<512x2048xf32>
    %mul3A_105 = arith.mulf %add3A_64, %add3A_47 : vector<512x2048xf32>
    %sub3A_106 = arith.subf %mul3A_104, %mul3A_105 : vector<512x2048xf32>
    %sub3A_107 = arith.subf %add3A_39, %add3A_64 : vector<512x2048xf32>
    %abs3A = math.absf %sub3A_107 : vector<512x2048xf32>
    %lt3A = arith.constant 9.99999996E-13 : f32
    %lt3A_108 = vector.broadcast %lt3A : f32 to vector<512x2048xf32>
    %lt3A_109 = arith.cmpf olt, %abs3A, %lt3A_108 : vector<512x2048xf32>
    %jit3A = arith.constant 9.99999996E-13 : f32
    %broadcast_in_dim3A = vector.broadcast %jit3A : f32 to vector<512x2048xf32>
    %select_n3A = arith.select %lt3A_109, %broadcast_in_dim3A, %sub3A_107 : vector<512x2048xi1>, vector<512x2048xf32>
    %div3A = arith.divf %add3A_39, %select_n3A : vector<512x2048xf32>
    %sub3A_110 = arith.subf %add3A_47, %add3A_97 : vector<512x2048xf32>
    %abs3A_111 = math.absf %sub3A_110 : vector<512x2048xf32>
    %lt3A_112 = arith.constant 9.99999996E-13 : f32
    %lt3A_113 = vector.broadcast %lt3A_112 : f32 to vector<512x2048xf32>
    %lt3A_114 = arith.cmpf olt, %abs3A_111, %lt3A_113 : vector<512x2048xf32>
    %jit3A_115 = arith.constant 9.99999996E-13 : f32
    %broadcast_in_dim3A_116 = vector.broadcast %jit3A_115 : f32 to vector<512x2048xf32>
    %select_n3A_117 = arith.select %lt3A_114, %broadcast_in_dim3A_116, %sub3A_110 : vector<512x2048xi1>, vector<512x2048xf32>
    %div3A_118 = arith.divf %add3A_47, %select_n3A_117 : vector<512x2048xf32>
    %sub3A_119 = arith.subf %add3A_72, %add3A_64 : vector<512x2048xf32>
    %sub3A_120 = arith.subf %add3A_72, %add3A_64 : vector<512x2048xf32>
    %sub3A_121 = arith.subf %add3A_89, %add3A_97 : vector<512x2048xf32>
    %add3A_122 = arith.addf %sub3A_120, %sub3A_121 : vector<512x2048xf32>
    %abs3A_123 = math.absf %add3A_122 : vector<512x2048xf32>
    %lt3A_124 = arith.constant 9.99999996E-13 : f32
    %lt3A_125 = vector.broadcast %lt3A_124 : f32 to vector<512x2048xf32>
    %lt3A_126 = arith.cmpf olt, %abs3A_123, %lt3A_125 : vector<512x2048xf32>
    %jit3A_127 = arith.constant 9.99999996E-13 : f32
    %broadcast_in_dim3A_128 = vector.broadcast %jit3A_127 : f32 to vector<512x2048xf32>
    %select_n3A_129 = arith.select %lt3A_126, %broadcast_in_dim3A_128, %add3A_122 : vector<512x2048xi1>, vector<512x2048xf32>
    %div3A_130 = arith.divf %sub3A_119, %select_n3A_129 : vector<512x2048xf32>
    %add3A_131 = arith.addf %sub3A_100, %sub3A_103 : vector<512x2048xf32>
    %add3A_132 = arith.addf %add3A_131, %sub3A_106 : vector<512x2048xf32>
    %abs3A_133 = math.absf %add3A_132 : vector<512x2048xf32>
    %lt3A_134 = arith.constant 9.99999996E-13 : f32
    %lt3A_135 = vector.broadcast %lt3A_134 : f32 to vector<512x2048xf32>
    %lt3A_136 = arith.cmpf olt, %abs3A_133, %lt3A_135 : vector<512x2048xf32>
    %jit3A_137 = arith.constant 9.99999996E-13 : f32
    %broadcast_in_dim3A_138 = vector.broadcast %jit3A_137 : f32 to vector<512x2048xf32>
    %select_n3A_139 = arith.select %lt3A_136, %broadcast_in_dim3A_138, %add3A_132 : vector<512x2048xi1>, vector<512x2048xf32>
    %div3A_140 = arith.divf %sub3A_103, %select_n3A_139 : vector<512x2048xf32>
    %div3A_141 = arith.divf %sub3A_106, %select_n3A_139 : vector<512x2048xf32>
    %sub3A_142 = arith.constant 1.000000e+00 : f32
    %sub3A_143 = vector.broadcast %sub3A_142 : f32 to vector<512x2048xf32>
    %sub3A_144 = arith.subf %sub3A_143, %div3A_140 : vector<512x2048xf32>
    %sub3A_145 = arith.subf %sub3A_144, %div3A_141 : vector<512x2048xf32>
    %le3A = arith.constant 0.000000e+00 : f32
    %le3A_146 = vector.broadcast %le3A : f32 to vector<512x2048xf32>
    %le3A_147 = arith.cmpf ole, %sub3A_100, %le3A_146 : vector<512x2048xf32>
    %sub3A_148 = arith.subf %add3A_72, %add3A_64 : vector<512x2048xf32>
    %ge3A = arith.constant 0.000000e+00 : f32
    %ge3A_149 = vector.broadcast %ge3A : f32 to vector<512x2048xf32>
    %ge3A_150 = arith.cmpf oge, %sub3A_148, %ge3A_149 : vector<512x2048xf32>
    %and3A = arith.andi %le3A_147, %ge3A_150 : vector<512x2048xi1>
    %sub3A_151 = arith.subf %add3A_89, %add3A_97 : vector<512x2048xf32>
    %ge3A_152 = arith.constant 0.000000e+00 : f32
    %ge3A_153 = vector.broadcast %ge3A_152 : f32 to vector<512x2048xf32>
    %ge3A_154 = arith.cmpf oge, %sub3A_151, %ge3A_153 : vector<512x2048xf32>
    %and3A_155 = arith.andi %and3A, %ge3A_154 : vector<512x2048xi1>
    %jit3A_156 = arith.constant 0.000000e+00 : f32
    %broadcast_in_dim3A_157 = vector.broadcast %jit3A_156 : f32 to vector<512x2048xf32>
    %select_n3A_158 = arith.select %and3A_155, %broadcast_in_dim3A_157, %sub3A_145 : vector<512x2048xi1>, vector<512x2048xf32>
    %sub3A_159 = arith.constant 1.000000e+00 : f32
    %sub3A_160 = vector.broadcast %sub3A_159 : f32 to vector<512x2048xf32>
    %sub3A_161 = arith.subf %sub3A_160, %div3A_130 : vector<512x2048xf32>
    %select_n3A_162 = arith.select %and3A_155, %sub3A_161, %div3A_140 : vector<512x2048xi1>, vector<512x2048xf32>
    %select_n3A_163 = arith.select %and3A_155, %div3A_130, %div3A_141 : vector<512x2048xi1>, vector<512x2048xf32>
    %le3A_164 = arith.constant 0.000000e+00 : f32
    %le3A_165 = vector.broadcast %le3A_164 : f32 to vector<512x2048xf32>
    %le3A_166 = arith.cmpf ole, %sub3A_103, %le3A_165 : vector<512x2048xf32>
    %ge3A_167 = arith.constant 0.000000e+00 : f32
    %ge3A_168 = vector.broadcast %ge3A_167 : f32 to vector<512x2048xf32>
    %ge3A_169 = arith.cmpf oge, %add3A_47, %ge3A_168 : vector<512x2048xf32>
    %and3A_170 = arith.andi %le3A_166, %ge3A_169 : vector<512x2048xi1>
    %le3A_171 = arith.constant 0.000000e+00 : f32
    %le3A_172 = vector.broadcast %le3A_171 : f32 to vector<512x2048xf32>
    %le3A_173 = arith.cmpf ole, %add3A_97, %le3A_172 : vector<512x2048xf32>
    %and3A_174 = arith.andi %and3A_170, %le3A_173 : vector<512x2048xi1>
    %sub3A_175 = arith.constant 1.000000e+00 : f32
    %sub3A_176 = vector.broadcast %sub3A_175 : f32 to vector<512x2048xf32>
    %sub3A_177 = arith.subf %sub3A_176, %div3A_118 : vector<512x2048xf32>
    %select_n3A_178 = arith.select %and3A_174, %sub3A_177, %select_n3A_158 : vector<512x2048xi1>, vector<512x2048xf32>
    %jit3A_179 = arith.constant 0.000000e+00 : f32
    %broadcast_in_dim3A_180 = vector.broadcast %jit3A_179 : f32 to vector<512x2048xf32>
    %select_n3A_181 = arith.select %and3A_174, %broadcast_in_dim3A_180, %select_n3A_162 : vector<512x2048xi1>, vector<512x2048xf32>
    %select_n3A_182 = arith.select %and3A_174, %div3A_118, %select_n3A_163 : vector<512x2048xi1>, vector<512x2048xf32>
    %le3A_183 = arith.constant 0.000000e+00 : f32
    %le3A_184 = vector.broadcast %le3A_183 : f32 to vector<512x2048xf32>
    %le3A_185 = arith.cmpf ole, %sub3A_106, %le3A_184 : vector<512x2048xf32>
    %ge3A_186 = arith.constant 0.000000e+00 : f32
    %ge3A_187 = vector.broadcast %ge3A_186 : f32 to vector<512x2048xf32>
    %ge3A_188 = arith.cmpf oge, %add3A_39, %ge3A_187 : vector<512x2048xf32>
    %and3A_189 = arith.andi %le3A_185, %ge3A_188 : vector<512x2048xi1>
    %le3A_190 = arith.constant 0.000000e+00 : f32
    %le3A_191 = vector.broadcast %le3A_190 : f32 to vector<512x2048xf32>
    %le3A_192 = arith.cmpf ole, %add3A_64, %le3A_191 : vector<512x2048xf32>
    %and3A_193 = arith.andi %and3A_189, %le3A_192 : vector<512x2048xi1>
    %sub3A_194 = arith.constant 1.000000e+00 : f32
    %sub3A_195 = vector.broadcast %sub3A_194 : f32 to vector<512x2048xf32>
    %sub3A_196 = arith.subf %sub3A_195, %div3A : vector<512x2048xf32>
    %select_n3A_197 = arith.select %and3A_193, %sub3A_196, %select_n3A_178 : vector<512x2048xi1>, vector<512x2048xf32>
    %select_n3A_198 = arith.select %and3A_193, %div3A, %select_n3A_181 : vector<512x2048xi1>, vector<512x2048xf32>
    %jit3A_199 = arith.constant 0.000000e+00 : f32
    %broadcast_in_dim3A_200 = vector.broadcast %jit3A_199 : f32 to vector<512x2048xf32>
    %select_n3A_201 = arith.select %and3A_193, %broadcast_in_dim3A_200, %select_n3A_182 : vector<512x2048xi1>, vector<512x2048xf32>
    %ge3A_202 = arith.constant 0.000000e+00 : f32
    %ge3A_203 = vector.broadcast %ge3A_202 : f32 to vector<512x2048xf32>
    %ge3A_204 = arith.cmpf oge, %add3A_97, %ge3A_203 : vector<512x2048xf32>
    %le3A_205 = arith.cmpf ole, %add3A_89, %add3A_97 : vector<512x2048xf32>
    %and3A_206 = arith.andi %ge3A_204, %le3A_205 : vector<512x2048xi1>
    %jit3A_207 = arith.constant 0.000000e+00 : f32
    %broadcast_in_dim3A_208 = vector.broadcast %jit3A_207 : f32 to vector<512x2048xf32>
    %select_n3A_209 = arith.select %and3A_206, %broadcast_in_dim3A_208, %select_n3A_197 : vector<512x2048xi1>, vector<512x2048xf32>
    %jit3A_210 = arith.constant 0.000000e+00 : f32
    %broadcast_in_dim3A_211 = vector.broadcast %jit3A_210 : f32 to vector<512x2048xf32>
    %select_n3A_212 = arith.select %and3A_206, %broadcast_in_dim3A_211, %select_n3A_198 : vector<512x2048xi1>, vector<512x2048xf32>
    %jit3A_213 = arith.constant 1.000000e+00 : f32
    %broadcast_in_dim3A_214 = vector.broadcast %jit3A_213 : f32 to vector<512x2048xf32>
    %select_n3A_215 = arith.select %and3A_206, %broadcast_in_dim3A_214, %select_n3A_201 : vector<512x2048xi1>, vector<512x2048xf32>
    %ge3A_216 = arith.constant 0.000000e+00 : f32
    %ge3A_217 = vector.broadcast %ge3A_216 : f32 to vector<512x2048xf32>
    %ge3A_218 = arith.cmpf oge, %add3A_64, %ge3A_217 : vector<512x2048xf32>
    %le3A_219 = arith.cmpf ole, %add3A_72, %add3A_64 : vector<512x2048xf32>
    %and3A_220 = arith.andi %ge3A_218, %le3A_219 : vector<512x2048xi1>
    %jit3A_221 = arith.constant 0.000000e+00 : f32
    %broadcast_in_dim3A_222 = vector.broadcast %jit3A_221 : f32 to vector<512x2048xf32>
    %select_n3A_223 = arith.select %and3A_220, %broadcast_in_dim3A_222, %select_n3A_209 : vector<512x2048xi1>, vector<512x2048xf32>
    %jit3A_224 = arith.constant 1.000000e+00 : f32
    %broadcast_in_dim3A_225 = vector.broadcast %jit3A_224 : f32 to vector<512x2048xf32>
    %select_n3A_226 = arith.select %and3A_220, %broadcast_in_dim3A_225, %select_n3A_212 : vector<512x2048xi1>, vector<512x2048xf32>
    %jit3A_227 = arith.constant 0.000000e+00 : f32
    %broadcast_in_dim3A_228 = vector.broadcast %jit3A_227 : f32 to vector<512x2048xf32>
    %select_n3A_229 = arith.select %and3A_220, %broadcast_in_dim3A_228, %select_n3A_215 : vector<512x2048xi1>, vector<512x2048xf32>
    %le3A_230 = arith.constant 0.000000e+00 : f32
    %le3A_231 = vector.broadcast %le3A_230 : f32 to vector<512x2048xf32>
    %le3A_232 = arith.cmpf ole, %add3A_39, %le3A_231 : vector<512x2048xf32>
    %le3A_233 = arith.constant 0.000000e+00 : f32
    %le3A_234 = vector.broadcast %le3A_233 : f32 to vector<512x2048xf32>
    %le3A_235 = arith.cmpf ole, %add3A_47, %le3A_234 : vector<512x2048xf32>
    %and3A_236 = arith.andi %le3A_232, %le3A_235 : vector<512x2048xi1>
    %jit3A_237 = arith.constant 1.000000e+00 : f32
    %broadcast_in_dim3A_238 = vector.broadcast %jit3A_237 : f32 to vector<512x2048xf32>
    %select_n3A_239 = arith.select %and3A_236, %broadcast_in_dim3A_238, %select_n3A_223 : vector<512x2048xi1>, vector<512x2048xf32>
    %jit3A_240 = arith.constant 0.000000e+00 : f32
    %broadcast_in_dim3A_241 = vector.broadcast %jit3A_240 : f32 to vector<512x2048xf32>
    %select_n3A_242 = arith.select %and3A_236, %broadcast_in_dim3A_241, %select_n3A_226 : vector<512x2048xi1>, vector<512x2048xf32>
    %jit3A_243 = arith.constant 0.000000e+00 : f32
    %broadcast_in_dim3A_244 = vector.broadcast %jit3A_243 : f32 to vector<512x2048xf32>
    %select_n3A_245 = arith.select %and3A_236, %broadcast_in_dim3A_244, %select_n3A_229 : vector<512x2048xi1>, vector<512x2048xf32>
    %mul3A_246 = vector.broadcast %slice3A_11 : vector<1x2048xf32> to vector<512x2048xf32>
    %mul3A_247 = arith.mulf %select_n3A_239, %mul3A_246 : vector<512x2048xf32>
    %mul3A_248 = vector.broadcast %slice3A_14 : vector<1x2048xf32> to vector<512x2048xf32>
    %mul3A_249 = arith.mulf %select_n3A_242, %mul3A_248 : vector<512x2048xf32>
    %add3A_250 = arith.addf %mul3A_247, %mul3A_249 : vector<512x2048xf32>
    %mul3A_251 = vector.broadcast %slice3A_17 : vector<1x2048xf32> to vector<512x2048xf32>
    %mul3A_252 = arith.mulf %select_n3A_245, %mul3A_251 : vector<512x2048xf32>
    %add3A_253 = arith.addf %add3A_250, %mul3A_252 : vector<512x2048xf32>
    %mul3A_254 = vector.broadcast %slice3A_12 : vector<1x2048xf32> to vector<512x2048xf32>
    %mul3A_255 = arith.mulf %select_n3A_239, %mul3A_254 : vector<512x2048xf32>
    %mul3A_256 = vector.broadcast %slice3A_15 : vector<1x2048xf32> to vector<512x2048xf32>
    %mul3A_257 = arith.mulf %select_n3A_242, %mul3A_256 : vector<512x2048xf32>
    %add3A_258 = arith.addf %mul3A_255, %mul3A_257 : vector<512x2048xf32>
    %mul3A_259 = vector.broadcast %slice3A_18 : vector<1x2048xf32> to vector<512x2048xf32>
    %mul3A_260 = arith.mulf %select_n3A_245, %mul3A_259 : vector<512x2048xf32>
    %add3A_261 = arith.addf %add3A_258, %mul3A_260 : vector<512x2048xf32>
    %mul3A_262 = vector.broadcast %slice3A_13 : vector<1x2048xf32> to vector<512x2048xf32>
    %mul3A_263 = arith.mulf %select_n3A_239, %mul3A_262 : vector<512x2048xf32>
    %mul3A_264 = vector.broadcast %slice3A_16 : vector<1x2048xf32> to vector<512x2048xf32>
    %mul3A_265 = arith.mulf %select_n3A_242, %mul3A_264 : vector<512x2048xf32>
    %add3A_266 = arith.addf %mul3A_263, %mul3A_265 : vector<512x2048xf32>
    %mul3A_267 = vector.broadcast %slice3A_19 : vector<1x2048xf32> to vector<512x2048xf32>
    %mul3A_268 = arith.mulf %select_n3A_245, %mul3A_267 : vector<512x2048xf32>
    %add3A_269 = arith.addf %add3A_266, %mul3A_268 : vector<512x2048xf32>
    %sub3A_270 = vector.broadcast %slice3A : vector<512x1xf32> to vector<512x2048xf32>
    %sub3A_271 = arith.subf %add3A_253, %sub3A_270 : vector<512x2048xf32>
    %integer_pow3A = arith.mulf %sub3A_271, %sub3A_271 : vector<512x2048xf32>
    %sub3A_272 = vector.broadcast %slice3A_4 : vector<512x1xf32> to vector<512x2048xf32>
    %sub3A_273 = arith.subf %add3A_261, %sub3A_272 : vector<512x2048xf32>
    %integer_pow3A_274 = arith.mulf %sub3A_273, %sub3A_273 : vector<512x2048xf32>
    %add3A_275 = arith.addf %integer_pow3A, %integer_pow3A_274 : vector<512x2048xf32>
    %sub3A_276 = vector.broadcast %slice3A_5 : vector<512x1xf32> to vector<512x2048xf32>
    %sub3A_277 = arith.subf %add3A_269, %sub3A_276 : vector<512x2048xf32>
    %integer_pow3A_278 = arith.mulf %sub3A_277, %sub3A_277 : vector<512x2048xf32>
    %add3A_279 = arith.addf %add3A_275, %integer_pow3A_278 : vector<512x2048xf32>
    %reduce_min3A = arith.constant dense<0x7F800000> : vector<512xf32>
    %reduce_min3A_280 = vector.multi_reduction <minimumf>, %add3A_279, %reduce_min3A [1] : vector<512x2048xf32> to vector<512xf32>
    %broadcast_in_dim3A_281 = vector.shape_cast %reduce_min3A_280 : vector<512xf32> to vector<512x1xf32>
    %iota3A = tpu.iota {dimensions = array<i32: 1>} : vector<512x2048xi32>
    %eq3A = vector.broadcast %broadcast_in_dim3A_281 : vector<512x1xf32> to vector<512x2048xf32>
    %eq3A_282 = arith.cmpf oeq, %add3A_279, %eq3A : vector<512x2048xf32>
    %jit3A_283 = arith.constant 2048 : i32
    %broadcast_in_dim3A_284 = vector.broadcast %jit3A_283 : i32 to vector<512x2048xi32>
    %select_n3A_285 = arith.select %eq3A_282, %iota3A, %broadcast_in_dim3A_284 : vector<512x2048xi1>, vector<512x2048xi32>
    %reduce_min3A_286 = arith.constant dense<2147483647> : vector<512xi32>
    %reduce_min3A_287 = vector.multi_reduction <minsi>, %select_n3A_285, %reduce_min3A_286 [1] : vector<512x2048xi32> to vector<512xi32>
    %broadcast_in_dim3A_288 = vector.shape_cast %reduce_min3A_287 : vector<512xi32> to vector<512x1xi32>
    %eq3A_289 = vector.broadcast %broadcast_in_dim3A_288 : vector<512x1xi32> to vector<512x2048xi32>
    %eq3A_290 = arith.cmpi eq, %iota3A, %eq3A_289 : vector<512x2048xi32>
    %convert_element_type3A = arith.extui %eq3A_290 : vector<512x2048xi1> to vector<512x2048xi32>
    %convert_element_type3A_291 = arith.sitofp %convert_element_type3A : vector<512x2048xi32> to vector<512x2048xf32>
    %mul3A_292 = arith.mulf %select_n3A_239, %convert_element_type3A_291 : vector<512x2048xf32>
    %reduce_sum3A = arith.constant dense<0.000000e+00> : vector<512xf32>
    %reduce_sum3A_293 = vector.multi_reduction <add>, %mul3A_292, %reduce_sum3A [1] : vector<512x2048xf32> to vector<512xf32>
    %broadcast_in_dim3A_294 = vector.shape_cast %reduce_sum3A_293 : vector<512xf32> to vector<512x1xf32>
    %mul3A_295 = arith.mulf %select_n3A_242, %convert_element_type3A_291 : vector<512x2048xf32>
    %reduce_sum3A_296 = arith.constant dense<0.000000e+00> : vector<512xf32>
    %reduce_sum3A_297 = vector.multi_reduction <add>, %mul3A_295, %reduce_sum3A_296 [1] : vector<512x2048xf32> to vector<512xf32>
    %broadcast_in_dim3A_298 = vector.shape_cast %reduce_sum3A_297 : vector<512xf32> to vector<512x1xf32>
    %mul3A_299 = arith.mulf %select_n3A_245, %convert_element_type3A_291 : vector<512x2048xf32>
    %reduce_sum3A_300 = arith.constant dense<0.000000e+00> : vector<512xf32>
    %reduce_sum3A_301 = vector.multi_reduction <add>, %mul3A_299, %reduce_sum3A_300 [1] : vector<512x2048xf32> to vector<512xf32>
    %broadcast_in_dim3A_302 = vector.shape_cast %reduce_sum3A_301 : vector<512xf32> to vector<512x1xf32>
    %jit3A_303 = arith.constant 0.000000e+00 : f32
    %jit3A_304 = arith.constant 1.000000e+00 : f32
    %max3A = vector.broadcast %jit3A_303 : f32 to vector<512x1xf32>
    %max3A_305 = arith.maximumf %max3A, %broadcast_in_dim3A_294 : vector<512x1xf32>
    %min3A = vector.broadcast %jit3A_304 : f32 to vector<512x1xf32>
    %min3A_306 = arith.minimumf %min3A, %max3A_305 : vector<512x1xf32>
    %swap3A = arith.constant 0 : index
    %swap3A_307 = arith.constant 0 : index
    %swap3A_308 = arith.constant 0 : index
    %swap3A_309 = vector.load %arg5[%swap3A, %swap3A_307, %swap3A_308] : memref<1x512x1xf32, #tpu.memory_space<vmem>>, vector<1x512x1xf32>
    %swap3A_310 = vector.shape_cast %swap3A_309 : vector<1x512x1xf32> to vector<512x1xf32>
    %swap3A_311 = vector.shape_cast %min3A_306 : vector<512x1xf32> to vector<1x512x1xf32>
    tpu.vector_store %arg5[%swap3A, %swap3A_307, %swap3A_308], %swap3A_311 {strides = array<i32>} : memref<1x512x1xf32, #tpu.memory_space<vmem>>, vector<1x512x1xf32>,
    %jit3A_312 = arith.constant 0.000000e+00 : f32
    %jit3A_313 = arith.constant 1.000000e+00 : f32
    %max3A_314 = vector.broadcast %jit3A_312 : f32 to vector<512x1xf32>
    %max3A_315 = arith.maximumf %max3A_314, %broadcast_in_dim3A_298 : vector<512x1xf32>
    %min3A_316 = vector.broadcast %jit3A_313 : f32 to vector<512x1xf32>
    %min3A_317 = arith.minimumf %min3A_316, %max3A_315 : vector<512x1xf32>
    %swap3A_318 = arith.constant 0 : index
    %swap3A_319 = arith.constant 0 : index
    %swap3A_320 = arith.constant 0 : index
    %swap3A_321 = vector.load %arg6[%swap3A_318, %swap3A_319, %swap3A_320] : memref<1x512x1xf32, #tpu.memory_space<vmem>>, vector<1x512x1xf32>
    %swap3A_322 = vector.shape_cast %swap3A_321 : vector<1x512x1xf32> to vector<512x1xf32>
    %swap3A_323 = vector.shape_cast %min3A_317 : vector<512x1xf32> to vector<1x512x1xf32>
    tpu.vector_store %arg6[%swap3A_318, %swap3A_319, %swap3A_320], %swap3A_323 {strides = array<i32>} : memref<1x512x1xf32, #tpu.memory_space<vmem>>, vector<1x512x1xf32>,
    %jit3A_324 = arith.constant 0.000000e+00 : f32
    %jit3A_325 = arith.constant 1.000000e+00 : f32
    %max3A_326 = vector.broadcast %jit3A_324 : f32 to vector<512x1xf32>
    %max3A_327 = arith.maximumf %max3A_326, %broadcast_in_dim3A_302 : vector<512x1xf32>
    %min3A_328 = vector.broadcast %jit3A_325 : f32 to vector<512x1xf32>
    %min3A_329 = arith.minimumf %min3A_328, %max3A_327 : vector<512x1xf32>
    %swap3A_330 = arith.constant 0 : index
    %swap3A_331 = arith.constant 0 : index
    %swap3A_332 = arith.constant 0 : index
    %swap3A_333 = vector.load %arg7[%swap3A_330, %swap3A_331, %swap3A_332] : memref<1x512x1xf32, #tpu.memory_space<vmem>>, vector<1x512x1xf32>
    %swap3A_334 = vector.shape_cast %swap3A_333 : vector<1x512x1xf32> to vector<512x1xf32>
    %swap3A_335 = vector.shape_cast %min3A_329 : vector<512x1xf32> to vector<1x512x1xf32>
    tpu.vector_store %arg7[%swap3A_330, %swap3A_331, %swap3A_332], %swap3A_335 {strides = array<i32>} : memref<1x512x1xf32, #tpu.memory_space<vmem>>, vector<1x512x1xf32>,
    %mul3A_336 = arith.constant 2048 : i32
    %mul3A_337 = arith.muli %arg0, %mul3A_336 : i32
    %add3A_338 = vector.broadcast %mul3A_337 : i32 to vector<512x1xi32>
    %add3A_339 = arith.addi %broadcast_in_dim3A_288, %add3A_338 : vector<512x1xi32>
    %swap3A_340 = arith.constant 0 : index
    %swap3A_341 = arith.constant 0 : index
    %swap3A_342 = arith.constant 0 : index
    %swap3A_343 = vector.load %arg4[%swap3A_340, %swap3A_341, %swap3A_342] : memref<1x512x1xi32, #tpu.memory_space<vmem>>, vector<1x512x1xi32>
    %swap3A_344 = vector.shape_cast %swap3A_343 : vector<1x512x1xi32> to vector<512x1xi32>
    %swap3A_345 = vector.shape_cast %add3A_339 : vector<512x1xi32> to vector<1x512x1xi32>
    tpu.vector_store %arg4[%swap3A_340, %swap3A_341, %swap3A_342], %swap3A_345 {strides = array<i32>} : memref<1x512x1xi32, #tpu.memory_space<vmem>>, vector<1x512x1xi32>,
    return
  }
  func.func @transform_0(%arg0: i32, %arg1: i32) -> (i32, i32, i32) {
    %c0_i32 = arith.constant 0 : i32
    %c0_i32_0 = arith.constant 0 : i32
    return %arg0, %arg1, %c0_i32 : i32, i32, i32
  }
  func.func @transform_1(%arg0: i32, %arg1: i32) -> (i32, i32, i32) {
    %c0_i32 = arith.constant 0 : i32
    %c0_i32_0 = arith.constant 0 : i32
    %c0_i32_1 = arith.constant 0 : i32
    return %arg0, %c0_i32, %c0_i32_0 : i32, i32, i32
  }
  func.func @transform_2(%arg0: i32, %arg1: i32) -> (i32, i32, i32) {
    %c0_i32 = arith.constant 0 : i32
    %c0_i32_0 = arith.constant 0 : i32
    return %arg0, %arg1, %c0_i32 : i32, i32, i32
  }
  func.func @transform_3(%arg0: i32, %arg1: i32) -> (i32, i32, i32) {
    %c0_i32 = arith.constant 0 : i32
    %c0_i32_0 = arith.constant 0 : i32
    return %arg0, %arg1, %c0_i32 : i32, i32, i32
  }
  func.func @transform_4(%arg0: i32, %arg1: i32) -> (i32, i32, i32) {
    %c0_i32 = arith.constant 0 : i32
    %c0_i32_0 = arith.constant 0 : i32
    return %arg0, %arg1, %c0_i32 : i32, i32, i32
  }
  func.func @transform_5(%arg0: i32, %arg1: i32) -> (i32, i32, i32) {
    %c0_i32 = arith.constant 0 : i32
    %c0_i32_0 = arith.constant 0 : i32
    return %arg0, %arg1, %c0_i32 : i32, i32, i32
  }
}

module attributes {stable_mosaic.version = 14 : i64} {
  func.func @_interp_kernel(%arg0: i32, %arg1: i32, %arg2: memref<1x512x128xf32, #tpu.memory_space<vmem>>, %arg3: memref<1x512x3xf32, #tpu.memory_space<vmem>>, %arg4: memref<1x512x1xf32, #tpu.memory_space<vmem>>, %arg5: memref<1x512x1xf32, #tpu.memory_space<vmem>>, %arg6: memref<1x512x1xf32, #tpu.memory_space<vmem>>, %arg7: memref<1x512x3xf32, #tpu.memory_space<vmem>>, %arg8: memref<1x512x3xf32, #tpu.memory_space<vmem>>, %arg9: memref<1x512x3xf32, #tpu.memory_space<vmem>>, %arg10: memref<1x512x1xi32, #tpu.memory_space<vmem>>) attributes {dimension_semantics = [#tpu.dimension_semantics<arbitrary>, #tpu.dimension_semantics<arbitrary>], iteration_bounds = array<i64: 2, 16>, scalar_prefetch = 0 : i64, scratch_operands = 0 : i64, tpu.core_type = #tpu.core_type<tc>, window_params = [{transform_indices = @transform_0, window_bounds = array<i64: 1, 512, 128>}, {transform_indices = @transform_1, window_bounds = array<i64: 1, 512, 3>}, {transform_indices = @transform_2, window_bounds = array<i64: 1, 512, 1>}, {transform_indices = @transform_3, window_bounds = array<i64: 1, 512, 1>}, {transform_indices = @transform_4, window_bounds = array<i64: 1, 512, 1>}, {transform_indices = @transform_5, window_bounds = array<i64: 1, 512, 3>}, {transform_indices = @transform_6, window_bounds = array<i64: 1, 512, 3>}, {transform_indices = @transform_7, window_bounds = array<i64: 1, 512, 3>}, {transform_indices = @transform_8, window_bounds = array<i64: 1, 512, 1>}]} {
    %get3A = arith.constant 0 : index
    %get3A_0 = arith.constant 0 : index
    %get3A_1 = arith.constant 0 : index
    %get3A_2 = vector.load %arg2[%get3A, %get3A_0, %get3A_1] : memref<1x512x128xf32, #tpu.memory_space<vmem>>, vector<1x512x128xf32>
    %get3A_3 = vector.shape_cast %get3A_2 : vector<1x512x128xf32> to vector<512x128xf32>
    %get3A_4 = arith.constant 0 : index
    %get3A_5 = arith.constant 0 : index
    %get3A_6 = arith.constant 0 : index
    %get3A_7 = vector.load %arg3[%get3A_4, %get3A_5, %get3A_6] : memref<1x512x3xf32, #tpu.memory_space<vmem>>, vector<1x512x3xf32>
    %get3A_8 = vector.shape_cast %get3A_7 : vector<1x512x3xf32> to vector<512x3xf32>
    %get3A_9 = arith.constant 0 : index
    %get3A_10 = arith.constant 0 : index
    %get3A_11 = arith.constant 0 : index
    %get3A_12 = vector.load %arg4[%get3A_9, %get3A_10, %get3A_11] : memref<1x512x1xf32, #tpu.memory_space<vmem>>, vector<1x512x1xf32>
    %get3A_13 = vector.shape_cast %get3A_12 : vector<1x512x1xf32> to vector<512x1xf32>
    %get3A_14 = arith.constant 0 : index
    %get3A_15 = arith.constant 0 : index
    %get3A_16 = arith.constant 0 : index
    %get3A_17 = vector.load %arg5[%get3A_14, %get3A_15, %get3A_16] : memref<1x512x1xf32, #tpu.memory_space<vmem>>, vector<1x512x1xf32>
    %get3A_18 = vector.shape_cast %get3A_17 : vector<1x512x1xf32> to vector<512x1xf32>
    %get3A_19 = arith.constant 0 : index
    %get3A_20 = arith.constant 0 : index
    %get3A_21 = arith.constant 0 : index
    %get3A_22 = vector.load %arg6[%get3A_19, %get3A_20, %get3A_21] : memref<1x512x1xf32, #tpu.memory_space<vmem>>, vector<1x512x1xf32>
    %get3A_23 = vector.shape_cast %get3A_22 : vector<1x512x1xf32> to vector<512x1xf32>
    %slice3A = vector.extract_strided_slice %get3A_3 {offsets = [0, 0], sizes = [512, 9], strides = [1, 1]} : vector<512x128xf32> to vector<512x9xf32>
    %mul3A = vector.broadcast %get3A_13 : vector<512x1xf32> to vector<512x9xf32>
    %mul3A_24 = arith.mulf %mul3A, %slice3A : vector<512x9xf32>
    %slice3A_25 = vector.extract_strided_slice %get3A_3 {offsets = [0, 9], sizes = [512, 9], strides = [1, 1]} : vector<512x128xf32> to vector<512x9xf32>
    %mul3A_26 = vector.broadcast %get3A_18 : vector<512x1xf32> to vector<512x9xf32>
    %mul3A_27 = arith.mulf %mul3A_26, %slice3A_25 : vector<512x9xf32>
    %add3A = arith.addf %mul3A_24, %mul3A_27 : vector<512x9xf32>
    %slice3A_28 = vector.extract_strided_slice %get3A_3 {offsets = [0, 18], sizes = [512, 9], strides = [1, 1]} : vector<512x128xf32> to vector<512x9xf32>
    %mul3A_29 = vector.broadcast %get3A_23 : vector<512x1xf32> to vector<512x9xf32>
    %mul3A_30 = arith.mulf %mul3A_29, %slice3A_28 : vector<512x9xf32>
    %add3A_31 = arith.addf %add3A, %mul3A_30 : vector<512x9xf32>
    %slice3A_32 = vector.extract_strided_slice %add3A_31 {offsets = [0, 0], sizes = [512, 3], strides = [1, 1]} : vector<512x9xf32> to vector<512x3xf32>
    %sub3A = arith.subf %slice3A_32, %get3A_8 : vector<512x3xf32>
    %swap3A = arith.constant 0 : index
    %swap3A_33 = arith.constant 0 : index
    %swap3A_34 = arith.constant 0 : index
    %swap3A_35 = vector.load %arg7[%swap3A, %swap3A_33, %swap3A_34] : memref<1x512x3xf32, #tpu.memory_space<vmem>>, vector<1x512x3xf32>
    %swap3A_36 = vector.shape_cast %swap3A_35 : vector<1x512x3xf32> to vector<512x3xf32>
    %swap3A_37 = vector.shape_cast %sub3A : vector<512x3xf32> to vector<1x512x3xf32>
    tpu.vector_store %arg7[%swap3A, %swap3A_33, %swap3A_34], %swap3A_37 {strides = array<i32>} : memref<1x512x3xf32, #tpu.memory_space<vmem>>, vector<1x512x3xf32>,
    %slice3A_38 = vector.extract_strided_slice %add3A_31 {offsets = [0, 3], sizes = [512, 3], strides = [1, 1]} : vector<512x9xf32> to vector<512x3xf32>
    %swap3A_39 = arith.constant 0 : index
    %swap3A_40 = arith.constant 0 : index
    %swap3A_41 = arith.constant 0 : index
    %swap3A_42 = vector.load %arg8[%swap3A_39, %swap3A_40, %swap3A_41] : memref<1x512x3xf32, #tpu.memory_space<vmem>>, vector<1x512x3xf32>
    %swap3A_43 = vector.shape_cast %swap3A_42 : vector<1x512x3xf32> to vector<512x3xf32>
    %swap3A_44 = vector.shape_cast %slice3A_38 : vector<512x3xf32> to vector<1x512x3xf32>
    tpu.vector_store %arg8[%swap3A_39, %swap3A_40, %swap3A_41], %swap3A_44 {strides = array<i32>} : memref<1x512x3xf32, #tpu.memory_space<vmem>>, vector<1x512x3xf32>,
    %slice3A_45 = vector.extract_strided_slice %add3A_31 {offsets = [0, 6], sizes = [512, 3], strides = [1, 1]} : vector<512x9xf32> to vector<512x3xf32>
    %swap3A_46 = arith.constant 0 : index
    %swap3A_47 = arith.constant 0 : index
    %swap3A_48 = arith.constant 0 : index
    %swap3A_49 = vector.load %arg9[%swap3A_46, %swap3A_47, %swap3A_48] : memref<1x512x3xf32, #tpu.memory_space<vmem>>, vector<1x512x3xf32>
    %swap3A_50 = vector.shape_cast %swap3A_49 : vector<1x512x3xf32> to vector<512x3xf32>
    %swap3A_51 = vector.shape_cast %slice3A_45 : vector<512x3xf32> to vector<1x512x3xf32>
    tpu.vector_store %arg9[%swap3A_46, %swap3A_47, %swap3A_48], %swap3A_51 {strides = array<i32>} : memref<1x512x3xf32, #tpu.memory_space<vmem>>, vector<1x512x3xf32>,
    %slice3A_52 = vector.extract_strided_slice %get3A_3 {offsets = [0, 27], sizes = [512, 1], strides = [1, 1]} : vector<512x128xf32> to vector<512x1xf32>
    %slice3A_53 = vector.extract_strided_slice %get3A_3 {offsets = [0, 28], sizes = [512, 1], strides = [1, 1]} : vector<512x128xf32> to vector<512x1xf32>
    %slice3A_54 = vector.extract_strided_slice %get3A_3 {offsets = [0, 29], sizes = [512, 1], strides = [1, 1]} : vector<512x128xf32> to vector<512x1xf32>
    %ge3A = arith.cmpf oge, %get3A_13, %get3A_18 : vector<512x1xf32>
    %ge3A_55 = arith.cmpf oge, %get3A_13, %get3A_23 : vector<512x1xf32>
    %and3A = arith.andi %ge3A, %ge3A_55 : vector<512x1xi1>
    %not3A = arith.constant dense<true> : vector<512x1xi1>
    %not3A_56 = arith.xori %and3A, %not3A : vector<512x1xi1>
    %ge3A_57 = arith.cmpf oge, %get3A_18, %get3A_23 : vector<512x1xf32>
    %and3A_58 = arith.andi %not3A_56, %ge3A_57 : vector<512x1xi1>
    %select_n3A = arith.select %and3A_58, %slice3A_53, %slice3A_54 : vector<512x1xi1>, vector<512x1xf32>
    %select_n3A_59 = arith.select %and3A, %slice3A_52, %select_n3A : vector<512x1xi1>, vector<512x1xf32>
    %convert_element_type3A = arith.fptosi %select_n3A_59 : vector<512x1xf32> to vector<512x1xi32>
    %swap3A_60 = arith.constant 0 : index
    %swap3A_61 = arith.constant 0 : index
    %swap3A_62 = arith.constant 0 : index
    %swap3A_63 = vector.load %arg10[%swap3A_60, %swap3A_61, %swap3A_62] : memref<1x512x1xi32, #tpu.memory_space<vmem>>, vector<1x512x1xi32>
    %swap3A_64 = vector.shape_cast %swap3A_63 : vector<1x512x1xi32> to vector<512x1xi32>
    %swap3A_65 = vector.shape_cast %convert_element_type3A : vector<512x1xi32> to vector<1x512x1xi32>
    tpu.vector_store %arg10[%swap3A_60, %swap3A_61, %swap3A_62], %swap3A_65 {strides = array<i32>} : memref<1x512x1xi32, #tpu.memory_space<vmem>>, vector<1x512x1xi32>,
    return
  }
  func.func @transform_0(%arg0: i32, %arg1: i32) -> (i32, i32, i32) {
    %c0_i32 = arith.constant 0 : i32
    %c0_i32_0 = arith.constant 0 : i32
    return %arg0, %arg1, %c0_i32 : i32, i32, i32
  }
  func.func @transform_1(%arg0: i32, %arg1: i32) -> (i32, i32, i32) {
    %c0_i32 = arith.constant 0 : i32
    %c0_i32_0 = arith.constant 0 : i32
    return %arg0, %arg1, %c0_i32 : i32, i32, i32
  }
  func.func @transform_2(%arg0: i32, %arg1: i32) -> (i32, i32, i32) {
    %c0_i32 = arith.constant 0 : i32
    %c0_i32_0 = arith.constant 0 : i32
    return %arg0, %arg1, %c0_i32 : i32, i32, i32
  }
  func.func @transform_3(%arg0: i32, %arg1: i32) -> (i32, i32, i32) {
    %c0_i32 = arith.constant 0 : i32
    %c0_i32_0 = arith.constant 0 : i32
    return %arg0, %arg1, %c0_i32 : i32, i32, i32
  }
  func.func @transform_4(%arg0: i32, %arg1: i32) -> (i32, i32, i32) {
    %c0_i32 = arith.constant 0 : i32
    %c0_i32_0 = arith.constant 0 : i32
    return %arg0, %arg1, %c0_i32 : i32, i32, i32
  }
  func.func @transform_5(%arg0: i32, %arg1: i32) -> (i32, i32, i32) {
    %c0_i32 = arith.constant 0 : i32
    %c0_i32_0 = arith.constant 0 : i32
    return %arg0, %arg1, %c0_i32 : i32, i32, i32
  }
  func.func @transform_6(%arg0: i32, %arg1: i32) -> (i32, i32, i32) {
    %c0_i32 = arith.constant 0 : i32
    %c0_i32_0 = arith.constant 0 : i32
    return %arg0, %arg1, %c0_i32 : i32, i32, i32
  }
  func.func @transform_7(%arg0: i32, %arg1: i32) -> (i32, i32, i32) {
    %c0_i32 = arith.constant 0 : i32
    %c0_i32_0 = arith.constant 0 : i32
    return %arg0, %arg1, %c0_i32 : i32, i32, i32
  }
  func.func @transform_8(%arg0: i32, %arg1: i32) -> (i32, i32, i32) {
    %c0_i32 = arith.constant 0 : i32
    %c0_i32_0 = arith.constant 0 : i32
    return %arg0, %arg1, %c0_i32 : i32, i32, i32
  }
}

</mosaic_0001>

<sc_bundles>
// kernel: kernel.5.cloned.1.call-start
scs
__scs_entry_jumppad:
0x0: {  	(pc) =	sbr.rel $0x88, $3  }
0x1: {  	(tag) =	ssettag $0x0;
	lr =	simm.s32 $0x1  }
0x2: {  	[smem:$0x3F9C] =	sst lr;
	_ =	strace $0xD0000000  }
0x3: {  	_ = 	snop  }
0x4: {  	_ = 	snop  }
0x5: {  	_ = 	snop  }
0x6: {  	_ = 	snop  }
0x7: {  	_ = 	snop  }
__scs_overlays_trampoline_lowered:
0x8: {  	[smem:$0x3FAB] =	sst s0  }
0x9: {  	[smem:$0x3FAC] =	sst s1  }
0xa: {  	[smem:$0x3FAD] =	sst s2  }
0xb: {  	[smem:$0x3FAE] =	sst s3  }
0xc: {  	[smem:$0x3FAF] =	sst s4  }
0xd: {  	[smem:$0x3FB0] =	sst s5  }
0xe: {  	[smem:$0x3FB1] =	sst s6  }
0xf: {  	[smem:$0x3FB2] =	sst s7  }
0x10: {  	[smem:$0x3FB3] =	sst s8  }
0x11: {  	[smem:$0x3FB4] =	sst s9;
	s0 =	simm.s32 @!p0 $0x0  }
0x12: {  	s1 =	sld [smem:$0x3F9A];
	s0 =	simm.s32 @p0 $0x1  }
0x13: {  	[smem:$0x3FB5] =	sst s0;
	s0 =	simm.s32 @!p1 $0x0  }
0x14: {  	s2 =	sld [smem:$0x3F99];
	s0 =	simm.s32 @p1 $0x1  }
0x15: {  	[smem:$0x3FB6] =	sst s0;
	s0 =	simm.s32 @!p2 $0x0  }
0x16: {  	s3 =	sld [smem:$0x3FDB];
	s0 =	simm.s32 @p2 $0x1  }
0x17: {  	s4 =	simm.s32 $0x1BF5;
	[smem:$0x3FB8] =	sst s0  }
0x18: {  	s0 =	sld [smem:$0x3F9B];
	_ =	swait.ge [sflag:s4], $0x0  }
0x19: {  	s7 =	sld [smem:$0x3F9C]  }
0x1a: {  	s8 =	sadd.s32 $0xFFFFE003, lr  }
0x1b: {  	s9 =	sadd.s32 $0xFFFFFEF7, lr;
	s5 =	simm.s32 $0xFFFFFFFF;
	p2 =	slt.u32 s8, $0xFFFFF086  }
0x1c: {  	p1 =	slt.u32 s9, $0xF7A;
	s5 =	simm.s32 @!p2 $0x0  }
0x1d: {  	s5 =	simm.s32 @p1 $0x1;
	p0 =	seq.s32 s7, s2  }
0x1e: {  	s7 =	smul.u32 @!p0 $0xF7A, s2;
	p2 =	seq.s32 @!p0 s5, $0x0  }
0x1f: {  	s9 =	smul.u32 $0xF7A, s1;
	s8 =	simm.s32 @!p0 $0x1BF5;
	p2 =	por !p2, p0  }
0x20: {  	[sflag:s8] =	ssyncset.s32 @!p0 $0xFFFFF086;
	s6 =	sadd.s32 @!p0 s3, s7;
	s7 =	simm.s32 @!p0 $0x108  }
0x21: {  	s3 =	sadd.s32 s3, s9;
	s6 =	sadd.s32 @!p0 $0x88, s6;
	s7 =	simm.s32 @p2 $0x1082  }
0x22: {  	[simem:s7], [sflag:s8] =	dma.local @!p0 [hbm:s6], $0xF7A  }
0x23: {  	s9 =	sor.u32 $0xD0000000, s2;
	s6 =	simm.s32 $0x108;
	_ =	swait.ge @!p0 [sflag:s8], $0x0  }
0x24: {  	s3 =	sadd.s32 $0x88, s3;
	s6 =	simm.s32 @!p1 $0x1082;
	[sflag:s4] =	ssyncset.s32 $0xFFFFF086  }
0x25: {  	[simem:s6], [sflag:s4] =	dma.local [hbm:s3], $0xF7A  }
0x26: {  	[smem:$0x3F9C] =	sst s1;
	(tag) =	ssettag s2;
	_ =	strace s9  }
0x27: {  	s1 =	sld [smem:$0x3FAC]  }
0x28: {  	s2 =	sld [smem:$0x3FAD]  }
0x29: {  	s4 =	sld [smem:$0x3FAF]  }
0x2a: {  	p0 =	seq.s32 s5, $0x0;
	s5 =	sld [smem:$0x3FB0]  }
0x2b: {  	s6 =	sld [smem:$0x3FB1]  }
0x2c: {  	s7 =	sld [smem:$0x3FB2]  }
0x2d: {  	s3 =	simm.s32 $0x108;
	s8 =	sld [smem:$0x3FB3]  }
0x2e: {  	s3 =	simm.s32 @!p0 $0x1082;
	s9 =	sld [smem:$0x3FB4]  }
0x2f: {  	lr =	sadd.s32 s0, s3;
	s0 =	sld [smem:$0x3FAB]  }
0x30: {  	s3 =	sld [smem:$0x3FAE]  }
0x31: {  	[smem:$0x3FB7] =	sst s10  }
0x32: {  	s10 =	sld [smem:$0x3FB5];
	_ =	sdelay $0x3  }
0x33: {  	p0 =	seq.s32 s10, $0x1;
	s10 =	sld [smem:$0x3FB7];
	_ =	sdelay $0x3  }
0x34: {  	[smem:$0x3FB7] =	sst s10  }
0x35: {  	s10 =	sld [smem:$0x3FB6];
	_ =	sdelay $0x3  }
0x36: {  	p1 =	seq.s32 s10, $0x1;
	s10 =	sld [smem:$0x3FB7];
	_ =	sdelay $0x3  }
0x37: {  	[smem:$0x3FB7] =	sst s10  }
0x38: {  	s10 =	sld [smem:$0x3FB8]  }
0x39: {  	_ = 	snop;
	(pc) =	sbr.ind lr, $3  }
0x3a: {  	_ = 	snop  }
0x3b: {  	_ = 	snop  }
0x3c: {  	p2 =	seq.s32 s10, $0x1;
	s10 =	sld [smem:$0x3FB7]  }
0x3d: {  	_ =	shalt  }
0x3e: {  	_ =	shalt  }
0x3f: {  	_ =	shalt  }
0x40: {  	_ =	shalt  }
0x41: {  	_ =	shalt  }
0x42: {  	_ =	shalt  }
0x43: {  	_ =	shalt  }
0x44: {  	_ =	shalt  }
0x45: {  	_ =	shalt  }
0x46: {  	_ =	shalt  }
0x47: {  	_ =	shalt  }
0x48: {  	_ =	shalt  }
0x49: {  	_ =	shalt  }
0x4a: {  	_ =	shalt  }
0x4b: {  	_ =	shalt  }
0x4c: {  	_ =	shalt  }
0x4d: {  	_ =	shalt  }
0x4e: {  	_ =	shalt  }
0x4f: {  	_ =	shalt  }
0x50: {  	_ =	shalt  }
0x51: {  	_ =	shalt  }
0x52: {  	_ =	shalt  }
0x53: {  	_ =	shalt  }
0x54: {  	_ =	shalt  }
0x55: {  	_ =	shalt  }
0x56: {  	_ =	shalt  }
0x57: {  	_ =	shalt  }
0x58: {  	_ =	shalt  }
0x59: {  	_ =	shalt  }
0x5a: {  	_ =	shalt  }
0x5b: {  	_ =	shalt  }
0x5c: {  	_ =	shalt  }
0x5d: {  	_ =	shalt  }
0x5e: {  	_ =	shalt  }
0x5f: {  	_ =	shalt  }
0x60: {  	_ =	shalt  }
0x61: {  	_ =	shalt  }
0x62: {  	_ =	shalt  }
0x63: {  	_ =	shalt  }
0x64: {  	_ =	shalt  }
0x65: {  	_ =	shalt  }
0x66: {  	_ =	shalt  }
0x67: {  	_ =	shalt  }
0x68: {  	_ =	shalt  }
0x69: {  	_ =	shalt  }
0x6a: {  	_ =	shalt  }
0x6b: {  	_ =	shalt  }
0x6c: {  	_ =	shalt  }
0x6d: {  	_ =	shalt  }
0x6e: {  	_ =	shalt  }
0x6f: {  	_ =	shalt  }
0x70: {  	_ =	shalt  }
0x71: {  	_ =	shalt  }
0x72: {  	_ =	shalt  }
0x73: {  	_ =	shalt  }
0x74: {  	_ =	shalt  }
0x75: {  	_ =	shalt  }
0x76: {  	_ =	shalt  }
0x77: {  	_ =	shalt  }
0x78: {  	_ =	shalt  }
0x79: {  	_ =	shalt  }
0x7a: {  	_ =	shalt  }
0x7b: {  	_ =	shalt  }
0x7c: {  	_ =	shalt  }
0x7d: {  	_ =	shalt  }
0x7e: {  	_ =	shalt  }
0x7f: {  	_ =	shalt  }
0x80: {  	_ =	shalt  }
0x81: {  	_ =	shalt  }
0x82: {  	_ =	shalt  }
0x83: {  	_ =	shalt  }
0x84: {  	_ =	shalt  }
0x85: {  	_ =	shalt  }
0x86: {  	_ =	shalt  }
0x87: {  	_ =	shalt  }
.Lfunc_end0:
.L_simem_size_0:
called_computation_lowered:
.L_overlay_start_0:
0x88: {  	s2 =	sld [smem:$0x3FD9]  }
0x89: {  	s3 =	sld [smem:$0x3FFE];
	_ =	sdelay $0x1  }
0x8a: {  	s1 =	srdreg.scid  }
0x8b: {  	s0 =	sand.u32 $0x1, s1  }
0x8c: {  	s14 =	sshll.u32 s0, $0xA;
	s2 =	sadd.s32 s3, s2  }
0x8d: {  	s2 =	sadd.s32 s2, s14  }
0x8e: {  	[smem:$0x3FC3] =	sst s2  }
0x8f: {  	_ = 	snop  }
0x90: {  	s2 =	sld [smem:$0x3FD0];
	_ =	sdelay $0x2  }
0x91: {  	s15 =	simm.s32 $0xA;
	s4 =	simm.s32 $0x10  }
0x92: {  	[smem:s4], [sflag:s15] =	dma.local [hbm:s2], $0x1  }
0x93: {  	_ =	swait.eq [sflag:s15], $0x1  }
0x94: {  	[sflag:s15] =	ssyncset.done $0x0  }
0x95: {  	[sflag:s15] =	ssyncadd.s32 $0xFFFFFFFF  }
0x96: {  	s16 =	sld [smem:$0x13];
	(tm) =	ssettm $0x1  }
0x97: {  	s17 =	sld [smem:$0x3FFB];
	_ =	sdelay $0x3  }
0x98: {  	_ =	strace s17  }
0x99: {  	s3 =	sld [smem:$0x3FFC];
	_ =	sdelay $0x3  }
0x9a: {  	_ =	strace s3  }
0x9b: {  	s3 =	sld [smem:$0x3FFD];
	_ =	sdelay $0x3  }
0x9c: {  	_ =	strace s3  }
0x9d: {  	_ =	strace $0x8FFFFFFF  }
0x9e: {  	s18 =	sld [smem:$0x3FDB];
	_ =	sdelay $0x1  }
0x9f: {  	s19 =	simm.s32 $_scs_section_size  }
0xa0: {  	s5 =	simm.s32 $_size__tile_overlayer_lowered;
	s6 =	simm.s32 $_tile_overlayer_lowered  }
0xa1: {  	s22 =	simm.s32 $0x1BFF;
	s21 =	sshll.u32 s6, $0x1;
	s3 =	sadd.s32 s19, s18  }
0xa2: {  	s7 =	simm.s32 $0x0;
	s20 =	sshll.u32 s5, $0x1;
	s5 =	sadd.s32 s21, s3  }
0xa3: {  	[timem:s7], [sflag:s22] =	dma.local [hbm:s5], s20  }
0xa4: {  	_ =	swait.ge [sflag:s22], s20  }
0xa5: {  	s4 =	ssub.s32 $0x0, s20;
	[sflag:s22] =	ssyncset.done $0x0  }
0xa6: {  	[sflag:s22] =	ssyncadd.s32 s4;
	_ =	sdelay $0x1  }
0xa7: {  	s23 =	simm.s32 $0x1B8B  }
0xa8: {  	_ =	swait.ge [sflag:s23], $0x1  }
0xa9: {  	[sflag:s23] =	ssyncset.done $0x0  }
0xaa: {  	s25 =	simm.s32 $0x1B8E;
	s24 =	sld [smem:$0x3FFE];
	[sflag:s23] =	ssyncadd.s32 $0xFFFFFFFF  }
0xab: {  	s26 =	simm.s32 $execute0_lowered;
	[smem:$0x3FD2] =	sst s25  }
0xac: {  	s5 =	sshll.u32 s26, $0x1;
	_ =	strace $0x80000046;
	[dreg:$0x1] =	wrdreg $0xFFFFFFFF  }
0xad: {  	s28 =	simm.s32 $_size_execute0_lowered;
	s3 =	sadd.s32 s3, s5;
	[dreg:$0x0] =	wrdreg $0x0  }
0xae: {  	s5 =	sshll.u32 s28, $0x1;
	[dreg:$0x2] =	wrdreg s3  }
0xaf: {  	[dreg:$0x3] =	wrdreg s5  }
0xb0: {  	[dreg:$0x4] =	wrdreg $0xC0  }
0xb1: {  	_ =	task [dreg:s7], $0x5FFFF  }
0xb2: {  	[dreg:$0x1] =	wrdreg $0xFFFFFFFF  }
0xb3: {  	[dreg:$0x0] =	wrdreg $0x60  }
0xb4: {  	[dreg:$0x2] =	wrdreg s24  }
0xb5: {  	[dreg:$0x3] =	wrdreg s16  }
0xb6: {  	[dreg:$0x4] =	wrdreg $0x9  }
0xb7: {  	_ =	task.clear_ibuf [dreg:s7], $0x5FFFF;
	_ =	strace $0x90000046  }
0xb8: {  	s29 =	simm.s32 $0x9;
	_ =	strace $0x80000048  }
0xb9: {  	_ =	swait.ge [sflag:s29], $0x1  }
0xba: {  	[sflag:s29] =	ssyncadd.s32 $0xFFFFFFFF  }
0xbb: {  	_ =	strace $0x90000048  }
0xbc: {  	_ =	sfence  }
0xbd: {  	s30 =	sld [smem:$0x0];
	_ =	sdelay $0x2  }
0xbe: {  	s31 =	sshll.u32 s1, $0xD;
	s1 =	sshrl.u32 s1, $0x2  }
0xbf: {  	s3 =	sand.u32 $0x4000, s31;
	s1 =	sadd.s32 s1, s30  }
0xc0: {  	s0 =	sor.u32 s3, s0;
	s1 =	sshll.u32 s1, $0x11  }
0xc1: {  	s0 =	sor.u32 s1, s0  }
0xc2: {  	s0 =	sadd.s32 $0x8F2B, s0  }
0xc3: {  	[sflag:s0] =	ssyncadd.remote.s32 $0x1  }
0xc4: {  	_ =	sfence.sel $0xFFFF  }
0xc5: {  	[dreg:$0x0] =	wrdreg $0xFFFFFFFF;
	(pc) =	sbr.abs _section_cstart, $3  }
0xc6: {  	[dreg:$0x1] =	wrdreg $0xFFFFFFFF  }
0xc7: {  	_ =	task.clear_ibuf [dreg:s7], $0x2FFFF;
	_ =	strace $0x9FFFFFFF  }
0xc8: {  	(tm) =	ssettm $0x7FFFFFFF  }
0xc9: {  	_ =	shalt  }
tec
execute0_lowered:
.L_overlay_start_1:
0x0: {  	(tag) =	ssettag $0x1  }
0x1: {  	s1 =	srdreg.scid  }
0x2: {  	s17 =	rddreg [dreg:$0x0];
	s0 =	stileid.u32;
	s19 =	sand.u32 $0x1, s1  }
0x3: {  	s9 =	rddreg [dreg:$0x1];
	s3 =	sshll.u32 s0, $0xA;
	s4 =	sshll.u32 s19, $0x9  }
0x4: {  	s2 =	simm.s32 $0x0;
	s1 =	rddreg [dreg:$0x2];
	s18 =	sor.u32 s4, s3  }
0x5: {  	[smem:$0x7FF] =	sst s2;
	s3 =	sshrl.u32 s18, $0x3  }
0x6: {  	_ =	strace $0x80000047;
	s4 =	sadd.s32 s9, s3;
	s3 =	simm.s32 $0x2  }
0x7: {  	[tilespmem:s2], [sflag:$0x2] =	stream.linear.gather [hbm4b:s4+s2], $0x80, $0x38;
	[tilespmem:$0x10200] =	vst v63  }
0x8: {  	s20 =	sor.u32 $0x80, s18;
	_ =	swait.ge [sflag:s3], $0x80  }
0x9: {  	s5 =	sshrl.u32 s20, $0x3;
	[sflag:s3] =	ssyncset.done $0x0  }
0xa: {  	s6 =	simm.s32 $0x80;
	s5 =	sadd.s32 s9, s5;
	[sflag:s3] =	ssyncadd.s32 $0xFFFFFF80  }
0xb: {  	[tilespmem:s6], [sflag:$0x2] =	stream.linear.gather [hbm4b:s5+s2], $0x80, $0x38;
	[tilespmem:$0x10200] =	vst v63  }
0xc: {  	s21 =	sor.u32 $0x100, s18;
	_ =	swait.ge [sflag:s3], $0x80  }
0xd: {  	s7 =	sshrl.u32 s21, $0x3;
	[sflag:s3] =	ssyncset.done $0x0  }
0xe: {  	s8 =	simm.s32 $0x100;
	s7 =	sadd.s32 s9, s7;
	[sflag:s3] =	ssyncadd.s32 $0xFFFFFF80  }
0xf: {  	[tilespmem:s8], [sflag:$0x2] =	stream.linear.gather [hbm4b:s7+s2], $0x80, $0x38;
	[tilespmem:$0x10200] =	vst v63  }
0x10: {  	s22 =	sor.u32 $0x180, s18;
	_ =	swait.ge [sflag:s3], $0x80  }
0x11: {  	s10 =	sshrl.u32 s22, $0x3;
	[sflag:s3] =	ssyncset.done $0x0  }
0x12: {  	s9 =	sadd.s32 s9, s10;
	s10 =	simm.s32 $0x180;
	[sflag:s3] =	ssyncadd.s32 $0xFFFFFF80  }
0x13: {  	[tilespmem:s10], [sflag:$0x2] =	stream.linear.gather [hbm4b:s9+s2], $0x80, $0x38;
	[tilespmem:$0x10200] =	vst v63  }
0x14: {  	_ =	swait.ge [sflag:s3], $0x80  }
0x15: {  	[sflag:s3] =	ssyncset.done $0x0  }
0x16: {  	s12 =	simm.s32 $0x200;
	s11 =	sadd.s32 $0x1400, s17;
	[sflag:s3] =	ssyncadd.s32 $0xFFFFFF80  }
0x17: {  	[tilespmem:s12], [sflag:$0x1] =	stream.indirect.gather [hbm4b:s11+s6], $0x80, s2, s6, $0xb8;
	[tilespmem:$0x10200] =	vst v63  }
0x18: {  	s13 =	simm.s32 $0x4200  }
0x19: {  	[tilespmem:s13], [sflag:$0x1] =	stream.indirect.gather [hbm4b:s11+s6], $0x80, s6, s6, $0xb8;
	[tilespmem:$0x10200] =	vst v63  }
0x1a: {  	s14 =	simm.s32 $0x8200  }
0x1b: {  	[tilespmem:s14], [sflag:$0x1] =	stream.indirect.gather [hbm4b:s11+s6], $0x80, s8, s6, $0xb8;
	[tilespmem:$0x10200] =	vst v63  }
0x1c: {  	s15 =	simm.s32 $0xC200;
	s16 =	simm.s32 $0x1  }
0x1d: {  	[tilespmem:s15], [sflag:$0x1] =	stream.indirect.gather [hbm4b:s11+s6], $0x80, s10, s6, $0xb8;
	[tilespmem:$0x10200] =	vst v63  }
0x1e: {  	_ =	swait.ge [sflag:s16], $0x4000  }
0x1f: {  	[sflag:s16] =	ssyncset.done $0x0  }
0x20: {  	[sflag:s16] =	ssyncadd.s32 $0xFFFFC000  }
0x21: {  	_ =	swait.ge [sflag:s16], $0x4000  }
0x22: {  	[sflag:s16] =	ssyncset.done $0x0  }
0x23: {  	[sflag:s16] =	ssyncadd.s32 $0xFFFFC000  }
0x24: {  	_ =	swait.ge [sflag:s16], $0x4000  }
0x25: {  	[sflag:s16] =	ssyncset.done $0x0  }
0x26: {  	[sflag:s16] =	ssyncadd.s32 $0xFFFFC000  }
0x27: {  	_ =	swait.ge [sflag:s16], $0x4000  }
0x28: {  	s23 =	sadd.s32 $0x131400, s17;
	s25 =	sshll.u32 s18, $0x4;
	[sflag:s16] =	ssyncset.done $0x0  }
0x29: {  	s17 =	sadd.s32 s23, s25;
	[sflag:s16] =	ssyncadd.s32 $0xFFFFC000  }
0x2a: {  	[hbm4b:s17+s2] =	stream.linear.scatter [tilespmem:s12], [sflag:$0x2], $0x4000, $0x38;
	[tilespmem:$0x10200] =	vst v63  }
0x2b: {  	_ =	swait.ge [sflag:s3], $0x4000  }
0x2c: {  	s26 =	sshll.u32 s20, $0x4;
	[sflag:s3] =	ssyncset.done $0x0  }
0x2d: {  	s29 =	ssub.s32 $0x2, s19;
	s18 =	sadd.s32 s23, s26;
	[sflag:s3] =	ssyncadd.s32 $0xFFFFC000  }
0x2e: {  	[hbm4b:s18+s2] =	stream.linear.scatter [tilespmem:s13], [sflag:$0x2], $0x4000, $0x38;
	[tilespmem:$0x10200] =	vst v63  }
0x2f: {  	s30 =	sshrl.u32 s29, $0x1;
	_ =	swait.ge [sflag:s3], $0x4000  }
0x30: {  	s28 =	sshll.u32 s21, $0x4;
	s21 =	ssub.s32 s29, s30;
	[sflag:s3] =	ssyncset.done $0x0  }
0x31: {  	s19 =	sadd.s32 s23, s28;
	s21 =	smax.u32 s21, $0x1;
	[sflag:s3] =	ssyncadd.s32 $0xFFFFC000  }
0x32: {  	[hbm4b:s19+s2] =	stream.linear.scatter [tilespmem:s14], [sflag:$0x2], $0x4000, $0x38;
	[tilespmem:$0x10200] =	vst v63  }
0x33: {  	p0 =	sne.s32 s21, $0x1;
	_ =	swait.ge [sflag:s3], $0x4000  }
.Ltmp0:
0x34: {  	s31 =	sshll.u32 s22, $0x4;
	[sflag:s3] =	ssyncset.done $0x0;
	(pc) =	sbr.rel @!p0 .LBB2_2-.Ltmp0, $4  }
0x35: {  	s20 =	sadd.s32 s23, s31;
	[sflag:s3] =	ssyncadd.s32 $0xFFFFC000  }
0x36: {  	[hbm4b:s20+s2] =	stream.linear.scatter [tilespmem:s15], [sflag:$0x2], $0x4000, $0x38;
	[tilespmem:$0x10200] =	vst v63  }
0x37: {  	_ =	swait.ge [sflag:s3], $0x4000  }
0x38: {  	s21 =	sadd.s32 $0xFFFFFFFF, s21;
	[sflag:s3] =	ssyncset.done $0x0  }
.LBB2_1:
0x39: {  	p0 =	sne.s32 s21, $0x1;
	s21 =	sadd.s32 $0xFFFFFFFF, s21;
	[sflag:s3] =	ssyncadd.s32 $0xFFFFC000  }
0x3a: {  	[tilespmem:s2], [sflag:$0x2] =	stream.linear.gather [hbm4b:s4+s2], $0x80, $0x38;
	[tilespmem:$0x10200] =	vst v63  }
0x3b: {  	_ =	swait.ge [sflag:s3], $0x80  }
0x3c: {  	[sflag:s3] =	ssyncset.done $0x0  }
0x3d: {  	[sflag:s3] =	ssyncadd.s32 $0xFFFFFF80  }
0x3e: {  	[tilespmem:s6], [sflag:$0x2] =	stream.linear.gather [hbm4b:s5+s2], $0x80, $0x38;
	[tilespmem:$0x10200] =	vst v63  }
0x3f: {  	_ =	swait.ge [sflag:s3], $0x80  }
0x40: {  	[sflag:s3] =	ssyncset.done $0x0  }
0x41: {  	[sflag:s3] =	ssyncadd.s32 $0xFFFFFF80  }
0x42: {  	[tilespmem:s8], [sflag:$0x2] =	stream.linear.gather [hbm4b:s7+s2], $0x80, $0x38;
	[tilespmem:$0x10200] =	vst v63  }
0x43: {  	_ =	swait.ge [sflag:s3], $0x80  }
0x44: {  	[sflag:s3] =	ssyncset.done $0x0  }
0x45: {  	[sflag:s3] =	ssyncadd.s32 $0xFFFFFF80  }
0x46: {  	[tilespmem:s10], [sflag:$0x2] =	stream.linear.gather [hbm4b:s9+s2], $0x80, $0x38;
	[tilespmem:$0x10200] =	vst v63  }
0x47: {  	_ =	swait.ge [sflag:s3], $0x80  }
0x48: {  	[sflag:s3] =	ssyncset.done $0x0  }
0x49: {  	[sflag:s3] =	ssyncadd.s32 $0xFFFFFF80  }
0x4a: {  	[tilespmem:s12], [sflag:$0x1] =	stream.indirect.gather [hbm4b:s11+s6], $0x80, s2, s6, $0xb8;
	[tilespmem:$0x10200] =	vst v63  }
0x4b: {  	_ = 	snop  }
0x4c: {  	[tilespmem:s13], [sflag:$0x1] =	stream.indirect.gather [hbm4b:s11+s6], $0x80, s6, s6, $0xb8;
	[tilespmem:$0x10200] =	vst v63  }
0x4d: {  	_ = 	snop  }
0x4e: {  	[tilespmem:s14], [sflag:$0x1] =	stream.indirect.gather [hbm4b:s11+s6], $0x80, s8, s6, $0xb8;
	[tilespmem:$0x10200] =	vst v63  }
0x4f: {  	_ = 	snop  }
0x50: {  	[tilespmem:s15], [sflag:$0x1] =	stream.indirect.gather [hbm4b:s11+s6], $0x80, s10, s6, $0xb8;
	[tilespmem:$0x10200] =	vst v63  }
0x51: {  	_ =	swait.ge [sflag:s16], $0x4000  }
0x52: {  	[sflag:s16] =	ssyncset.done $0x0  }
0x53: {  	[sflag:s16] =	ssyncadd.s32 $0xFFFFC000  }
0x54: {  	_ =	swait.ge [sflag:s16], $0x4000  }
0x55: {  	[sflag:s16] =	ssyncset.done $0x0  }
0x56: {  	[sflag:s16] =	ssyncadd.s32 $0xFFFFC000  }
0x57: {  	_ =	swait.ge [sflag:s16], $0x4000  }
0x58: {  	[sflag:s16] =	ssyncset.done $0x0  }
0x59: {  	[sflag:s16] =	ssyncadd.s32 $0xFFFFC000  }
0x5a: {  	_ =	swait.ge [sflag:s16], $0x4000  }
0x5b: {  	[sflag:s16] =	ssyncset.done $0x0  }
0x5c: {  	[sflag:s16] =	ssyncadd.s32 $0xFFFFC000  }
0x5d: {  	[hbm4b:s17+s2] =	stream.linear.scatter [tilespmem:s12], [sflag:$0x2], $0x4000, $0x38;
	[tilespmem:$0x10200] =	vst v63  }
0x5e: {  	_ =	swait.ge [sflag:s3], $0x4000  }
0x5f: {  	[sflag:s3] =	ssyncset.done $0x0  }
0x60: {  	[sflag:s3] =	ssyncadd.s32 $0xFFFFC000  }
0x61: {  	[hbm4b:s18+s2] =	stream.linear.scatter [tilespmem:s13], [sflag:$0x2], $0x4000, $0x38;
	[tilespmem:$0x10200] =	vst v63  }
0x62: {  	_ =	swait.ge [sflag:s3], $0x4000  }
0x63: {  	[sflag:s3] =	ssyncset.done $0x0  }
0x64: {  	[sflag:s3] =	ssyncadd.s32 $0xFFFFC000  }
0x65: {  	[hbm4b:s19+s2] =	stream.linear.scatter [tilespmem:s14], [sflag:$0x2], $0x4000, $0x38;
	[tilespmem:$0x10200] =	vst v63  }
0x66: {  	_ =	swait.ge [sflag:s3], $0x4000  }
.Ltmp1:
0x67: {  	[sflag:s3] =	ssyncset.done $0x0;
	(pc) =	sbr.rel @p0 .LBB2_1-.Ltmp1, $4  }
0x68: {  	[sflag:s3] =	ssyncadd.s32 $0xFFFFC000  }
0x69: {  	[hbm4b:s20+s2] =	stream.linear.scatter [tilespmem:s15], [sflag:$0x2], $0x4000, $0x38;
	[tilespmem:$0x10200] =	vst v63  }
0x6a: {  	_ =	swait.ge [sflag:s3], $0x4000  }
0x6b: {  	[sflag:s3] =	ssyncset.done $0x0  }
.LBB2_2:
0x6c: {  	[sflag:s3] =	ssyncadd.s32 $0xFFFFC000  }
0x6d: {  	_ =	sfence.sel $0x180000  }
0x6e: {  	[bflag:$0x0] =	sbarrier.arrive $0xFFFF  }
0x6f: {  	p0 =	sne.s32 s0, $0x0;
	_ =	strace $0x90000047  }
0x70: {  	s0 =	sadd.s32 @!p0 $0x100000, s1;
	[bflag:$0x2] =	sbarrier.arrive $0xFFFF  }
0x71: {  	[sflag:s0] =	ssyncadd.tile.s32 @!p0 $0x1;
	_ =	shalt  }
.Lfunc_end2:
_tile_overlayer_lowered:
.L_overlay_start_2:
0x72: {  	(tag) =	ssettag $0x2  }
0x73: {  	s0 =	rddreg [dreg:$0x0];
	s2 =	stileid.u32  }
0x74: {  	s1 =	rddreg [dreg:$0x1];
	p0 =	sne.s32 s2, $0x0  }
0x75: {  	s3 =	rddreg [dreg:$0x2];
	[bflag:$0x3] =	sbarrier.arrive $0xFFFF;
	s2 =	simm.s32 @!p0 $0x1C02  }
0x76: {  	[timem:s3], [sflag:s2] =	dma.local @!p0 [hbm:s0], s1  }
0x77: {  	s0 =	simm.s32 @!p0 $0x2  }
0x78: {  	_ =	swait.ge @!p0 [sflag:s0], s1  }
0x79: {  	s1 =	ssub.s32 @!p0 $0x0, s1;
	[sflag:s0] =	ssyncset.done @!p0 $0x0  }
0x7a: {  	[sflag:s0] =	ssyncadd.s32 @!p0 s1  }
0x7b: {  	[bflag:$0x3] =	sbarrier.arrive $0xFFFF  }
0x7c: {  	_ =	shalt  }

</sc_bundles>
